<compile_context>
chip_gen: v7x
topology: tpu7x:2x2x1
jax: 0.10.2.dev20260603
libtpu: 0.0.44.dev20260713+nightly
codegen_flags: <defaults>
</compile_context>

<pallas_src>
import functools

import jax
import jax.numpy as jnp
from jax import lax
from jax.experimental import pallas as pl
from jax.experimental.pallas import tpu as pltpu
from jax.experimental.pallas import tpu_sc as plsc


def _copy_kernel(te_ref, out_ref):
    out_ref[...] = te_ref[...]


def _make_sc_pos(batch, seq, d, dtype):
    info = plsc.get_sparse_core_info()
    nc, ns = info.num_cores, info.num_subcores
    nw = nc * ns
    per_b = nw // batch
    rows = seq // per_b
    chunk = 32
    n_it = rows // chunk
    mesh = plsc.VectorSubcoreMesh(core_axis_name="c", subcore_axis_name="s")

    @functools.partial(
        pl.kernel,
        mesh=mesh,
        out_type=jax.ShapeDtypeStruct((batch * seq, d), dtype),
        scratch_types=[
            pltpu.VMEM((2, chunk, d), dtype),
            pltpu.SemaphoreType.DMA,
            pltpu.SemaphoreType.DMA,
        ],
    )
    def sc_pos(w_hbm, out_hbm, vbuf, rsem, wsem):
        wid = lax.axis_index("s") * nc + lax.axis_index("c")
        b = wid // per_b
        s_base = (wid % per_b) * rows
        o_base = b * seq + s_base

        def read(i, slot):
            return pltpu.make_async_copy(
                w_hbm.at[pl.ds(s_base + i * chunk, chunk)], vbuf.at[slot], rsem)

        def write(i, slot):
            return pltpu.make_async_copy(
                vbuf.at[slot], out_hbm.at[pl.ds(o_base + i * chunk, chunk)], wsem)

        read(0, 0).start()
        for i in range(n_it):
            slot = i % 2
            read(i, slot).wait()
            if i + 1 < n_it:
                if i >= 1:
                    write(i - 1, (i - 1) % 2).wait()
                read(i + 1, (i + 1) % 2).start()
            write(i, slot).start()
        write(n_it - 2, (n_it - 2) % 2).wait()
        write(n_it - 1, (n_it - 1) % 2).wait()

    return sc_pos


def kernel(tokens, token_embed, W_pos):
    batch, seq, d = token_embed.shape
    pos_flat = _make_sc_pos(batch, seq, d, W_pos.dtype)(W_pos)
    pos_embed = pos_flat.reshape(batch, seq, d)

    block_s = 512
    te_out = pl.pallas_call(
        _copy_kernel,
        grid=(seq // block_s,),
        in_specs=[pl.BlockSpec((batch, block_s, d), lambda j: (0, j, 0))],
        out_specs=pl.BlockSpec((batch, block_s, d), lambda j: (0, j, 0)),
        out_shape=jax.ShapeDtypeStruct((batch, seq, d), token_embed.dtype),
    )(token_embed)
    return (pos_embed, te_out)

# --- scband reference (transcript-rebuilt; emitter-appended) ---
"""Pipeline reference for scband-pos-embed-180388626508 (READ-ONLY COPY).

The authoritative reference and input builder live on the scoring server;
editing this copy changes nothing except your own understanding.
"""

import jax, jax.numpy as jnp
import numpy as np

N_CTX = 8192
D_MODEL = 1024
BATCH = 4
SEQ = 4096
VOCAB = 50257

def setup_inputs(seed: int = 0) -> dict:
    key = jax.random.key(seed)
    k1, k2, k3 = jax.random.split(key, 3)
    tokens = jax.random.randint(k1, (BATCH, SEQ), 0, VOCAB, dtype=jnp.int64)
    token_embed = jax.random.normal(k2, (BATCH, SEQ, D_MODEL), dtype=jnp.float32)
    W_pos = jax.random.normal(k3, (N_CTX, D_MODEL), dtype=jnp.float32) * 0.02
    return {"tokens": tokens, "token_embed": token_embed, "W_pos": W_pos}

def reference(tokens, token_embed, W_pos):
    n_tokens = tokens.shape[-1]
    pos_embed = W_pos[:n_tokens, :]
    if tokens.ndim > 1:
        batch = tokens.shape[0]
        pos_embed = jnp.broadcast_to(pos_embed[None, :, :], (batch, n_tokens, pos_embed.shape[-1]))
    return (pos_embed, token_embed)

if __name__ == "__main__":
    import jax
    _d = setup_inputs()
    print(jax.jit(kernel)(*tuple(_d.values())))

</pallas_src>

<mosaic_0001>
#map = affine_map<(d0, d1) -> (0, 0)>
module attributes {stable_mosaic.version = 14 : i64} {
  func.func @sc_pos(%arg0: i32, %arg1: i32, %arg2: memref<8192x1024xf32, #tpu.memory_space<hbm>>, %arg3: memref<16384x1024xf32, #tpu.memory_space<hbm>>, %arg4: memref<2x32x1024xf32, #tpu.memory_space<vmem>>, %arg5: memref<!tpu.dma_semaphore, #tpu.memory_space<semaphore_mem>>, %arg6: memref<!tpu.dma_semaphore, #tpu.memory_space<semaphore_mem>>) attributes {dimension_semantics = [#tpu.dimension_semantics<core_parallel>, #tpu.dimension_semantics<subcore_parallel>], iteration_bounds = array<i64: 2, 16>, scalar_prefetch = 0 : i64, scratch_operands = 3 : i64, tpu.core_type = #tpu.core_type<sc_vector_subcore>, window_params = [{transform_indices = #map}, {transform_indices = #map}]} {
    %mul3A = arith.constant 2 : i32
    %mul3A_0 = arith.muli %arg1, %mul3A : i32
    %add3A = arith.addi %mul3A_0, %arg0 : i32
    %jit3A = arith.constant 8 : i32
    %div3A = arith.divsi %add3A, %jit3A : i32
    %sign3A = arith.constant 0 : i32
    %sign3A_1 = arith.cmpi sgt, %add3A, %sign3A : i32
    %sign3A_2 = arith.extui %sign3A_1 : i1 to i32
    %sign3A_3 = arith.constant 0 : i32
    %sign3A_4 = arith.cmpi slt, %add3A, %sign3A_3 : i32
    %sign3A_5 = arith.extui %sign3A_4 : i1 to i32
    %sign3A_6 = arith.subi %sign3A_2, %sign3A_5 : i32
    %sign3A_7 = arith.constant 0 : i32
    %sign3A_8 = arith.cmpi sgt, %jit3A, %sign3A_7 : i32
    %sign3A_9 = arith.extui %sign3A_8 : i1 to i32
    %sign3A_10 = arith.constant 0 : i32
    %sign3A_11 = arith.cmpi slt, %jit3A, %sign3A_10 : i32
    %sign3A_12 = arith.extui %sign3A_11 : i1 to i32
    %sign3A_13 = arith.subi %sign3A_9, %sign3A_12 : i32
    %ne3A = arith.cmpi ne, %sign3A_6, %sign3A_13 : i32
    %rem3A = arith.remsi %add3A, %jit3A : i32
    %ne3A_14 = arith.constant 0 : i32
    %ne3A_15 = arith.cmpi ne, %rem3A, %ne3A_14 : i32
    %and3A = arith.andi %ne3A, %ne3A_15 : i1
    %sub3A = arith.constant 1 : i32
    %sub3A_16 = arith.subi %div3A, %sub3A : i32
    %select_n3A = arith.select %and3A, %sub3A_16, %div3A : i32
    %jit3A_17 = arith.constant 8 : i32
    %eq3A = arith.constant 0 : i32
    %eq3A_18 = arith.cmpi eq, %jit3A_17, %eq3A : i32
    %jit3A_19 = arith.constant 1 : i32
    %select_n3A_20 = arith.select %eq3A_18, %jit3A_19, %jit3A_17 : i32
    %rem3A_21 = arith.remsi %add3A, %select_n3A_20 : i32
    %ne3A_22 = arith.constant 0 : i32
    %ne3A_23 = arith.cmpi ne, %rem3A_21, %ne3A_22 : i32
    %lt3A = arith.constant 0 : i32
    %lt3A_24 = arith.cmpi slt, %rem3A_21, %lt3A : i32
    %lt3A_25 = arith.constant 0 : i32
    %lt3A_26 = arith.cmpi slt, %select_n3A_20, %lt3A_25 : i32
    %ne3A_27 = arith.xori %lt3A_24, %lt3A_26 : i1
    %and3A_28 = arith.andi %ne3A_27, %ne3A_23 : i1
    %add3A_29 = arith.addi %rem3A_21, %select_n3A_20 : i32
    %select_n3A_30 = arith.select %and3A_28, %add3A_29, %rem3A_21 : i32
    %mul3A_31 = arith.constant 512 : i32
    %mul3A_32 = arith.muli %select_n3A_30, %mul3A_31 : i32
    %mul3A_33 = arith.constant 4096 : i32
    %mul3A_34 = arith.muli %select_n3A, %mul3A_33 : i32
    %add3A_35 = arith.addi %mul3A_34, %mul3A_32 : i32
    %add3A_36 = arith.constant 0 : i32
    %add3A_37 = arith.addi %mul3A_32, %add3A_36 : i32
    %dma_start3A = arith.constant 0 : i32
    %dma_start3A_38 = arith.constant 0 : i32
    %dma_start3A_39 = arith.constant 0 : i32
    %dma_start3A_40 = tpu.memref_slice %arg4[%dma_start3A, %dma_start3A_38, %dma_start3A_39] : memref<2x32x1024xf32, #tpu.memory_space<vmem>> -> memref<1x32x1024xf32, #tpu.memory_space<vmem>>
    %dma_start3A_41 = tpu.memref_squeeze %dma_start3A_40 : memref<1x32x1024xf32, #tpu.memory_space<vmem>> -> memref<32x1024xf32, #tpu.memory_space<vmem>>
    %dma_start3A_42 = arith.constant 0 : i32
    %dma_start3A_43 = tpu.memref_slice %arg2[%add3A_37, %dma_start3A_42] : memref<8192x1024xf32, #tpu.memory_space<hbm>> -> memref<32x1024xf32, #tpu.memory_space<hbm>>
    %dma_start3A_44 = arith.constant 0 : i32
    %dma_start3A_45 = arith.constant 0 : i32
    %dma_start3A_46 = tpu.memref_slice %arg4[%dma_start3A, %dma_start3A_44, %dma_start3A_45] : memref<2x32x1024xf32, #tpu.memory_space<vmem>> -> memref<1x32x1024xf32, #tpu.memory_space<vmem>>
    %dma_start3A_47 = tpu.memref_squeeze %dma_start3A_46 : memref<1x32x1024xf32, #tpu.memory_space<vmem>> -> memref<32x1024xf32, #tpu.memory_space<vmem>>
    %dma_start3A_48 = arith.constant 0 : i32
    %dma_start3A_49 = tpu.memref_slice %arg2[%add3A_37, %dma_start3A_48] : memref<8192x1024xf32, #tpu.memory_space<hbm>> -> memref<32x1024xf32, #tpu.memory_space<hbm>>
    tpu.enqueue_dma source(%dma_start3A_49 : memref<32x1024xf32, #tpu.memory_space<hbm>>) target(%dma_start3A_47 : memref<32x1024xf32, #tpu.memory_space<vmem>>) target_semaphore(%arg5 : memref<!tpu.dma_semaphore, #tpu.memory_space<semaphore_mem>>)
    %add3A_50 = arith.constant 0 : i32
    %add3A_51 = arith.addi %mul3A_32, %add3A_50 : i32
    %dma_wait3A = arith.constant 0 : i32
    %dma_wait3A_52 = arith.constant 0 : i32
    %dma_wait3A_53 = arith.constant 0 : i32
    %dma_wait3A_54 = tpu.memref_slice %arg4[%dma_wait3A, %dma_wait3A_52, %dma_wait3A_53] : memref<2x32x1024xf32, #tpu.memory_space<vmem>> -> memref<1x32x1024xf32, #tpu.memory_space<vmem>>
    %dma_wait3A_55 = tpu.memref_squeeze %dma_wait3A_54 : memref<1x32x1024xf32, #tpu.memory_space<vmem>> -> memref<32x1024xf32, #tpu.memory_space<vmem>>
    %dma_wait3A_56 = arith.constant 0 : i32
    %dma_wait3A_57 = tpu.memref_slice %arg2[%add3A_51, %dma_wait3A_56] : memref<8192x1024xf32, #tpu.memory_space<hbm>> -> memref<32x1024xf32, #tpu.memory_space<hbm>>
    %dma_wait3A_58 = arith.constant 0 : i32
    %dma_wait3A_59 = arith.constant 0 : i32
    %dma_wait3A_60 = tpu.memref_slice %arg4[%dma_wait3A, %dma_wait3A_58, %dma_wait3A_59] : memref<2x32x1024xf32, #tpu.memory_space<vmem>> -> memref<1x32x1024xf32, #tpu.memory_space<vmem>>
    %dma_wait3A_61 = tpu.memref_squeeze %dma_wait3A_60 : memref<1x32x1024xf32, #tpu.memory_space<vmem>> -> memref<32x1024xf32, #tpu.memory_space<vmem>>
    %dma_wait3A_62 = arith.constant 0 : i32
    %dma_wait3A_63 = tpu.memref_slice %arg2[%add3A_51, %dma_wait3A_62] : memref<8192x1024xf32, #tpu.memory_space<hbm>> -> memref<32x1024xf32, #tpu.memory_space<hbm>>
    tpu.wait_dma2 semaphore(%arg5 : memref<!tpu.dma_semaphore, #tpu.memory_space<semaphore_mem>>) src(%dma_wait3A_63 : memref<32x1024xf32, #tpu.memory_space<hbm>>) dst(%dma_wait3A_61 : memref<32x1024xf32, #tpu.memory_space<vmem>>)
    %add3A_64 = arith.constant 32 : i32
    %add3A_65 = arith.addi %mul3A_32, %add3A_64 : i32
    %dma_start3A_66 = arith.constant 1 : i32
    %dma_start3A_67 = arith.constant 0 : i32
    %dma_start3A_68 = arith.constant 0 : i32
    %dma_start3A_69 = tpu.memref_slice %arg4[%dma_start3A_66, %dma_start3A_67, %dma_start3A_68] : memref<2x32x1024xf32, #tpu.memory_space<vmem>> -> memref<1x32x1024xf32, #tpu.memory_space<vmem>>
    %dma_start3A_70 = tpu.memref_squeeze %dma_start3A_69 : memref<1x32x1024xf32, #tpu.memory_space<vmem>> -> memref<32x1024xf32, #tpu.memory_space<vmem>>
    %dma_start3A_71 = arith.constant 0 : i32
    %dma_start3A_72 = tpu.memref_slice %arg2[%add3A_65, %dma_start3A_71] : memref<8192x1024xf32, #tpu.memory_space<hbm>> -> memref<32x1024xf32, #tpu.memory_space<hbm>>
    %dma_start3A_73 = arith.constant 0 : i32
    %dma_start3A_74 = arith.constant 0 : i32
    %dma_start3A_75 = tpu.memref_slice %arg4[%dma_start3A_66, %dma_start3A_73, %dma_start3A_74] : memref<2x32x1024xf32, #tpu.memory_space<vmem>> -> memref<1x32x1024xf32, #tpu.memory_space<vmem>>
    %dma_start3A_76 = tpu.memref_squeeze %dma_start3A_75 : memref<1x32x1024xf32, #tpu.memory_space<vmem>> -> memref<32x1024xf32, #tpu.memory_space<vmem>>
    %dma_start3A_77 = arith.constant 0 : i32
    %dma_start3A_78 = tpu.memref_slice %arg2[%add3A_65, %dma_start3A_77] : memref<8192x1024xf32, #tpu.memory_space<hbm>> -> memref<32x1024xf32, #tpu.memory_space<hbm>>
    tpu.enqueue_dma source(%dma_start3A_78 : memref<32x1024xf32, #tpu.memory_space<hbm>>) target(%dma_start3A_76 : memref<32x1024xf32, #tpu.memory_space<vmem>>) target_semaphore(%arg5 : memref<!tpu.dma_semaphore, #tpu.memory_space<semaphore_mem>>)
    %add3A_79 = arith.constant 0 : i32
    %add3A_80 = arith.addi %add3A_35, %add3A_79 : i32
    %dma_start3A_81 = arith.constant 0 : i32
    %dma_start3A_82 = arith.constant 0 : i32
    %dma_start3A_83 = arith.constant 0 : i32
    %dma_start3A_84 = tpu.memref_slice %arg4[%dma_start3A_81, %dma_start3A_82, %dma_start3A_83] : memref<2x32x1024xf32, #tpu.memory_space<vmem>> -> memref<1x32x1024xf32, #tpu.memory_space<vmem>>
    %dma_start3A_85 = tpu.memref_squeeze %dma_start3A_84 : memref<1x32x1024xf32, #tpu.memory_space<vmem>> -> memref<32x1024xf32, #tpu.memory_space<vmem>>
    %dma_start3A_86 = arith.constant 0 : i32
    %dma_start3A_87 = tpu.memref_slice %arg3[%add3A_80, %dma_start3A_86] : memref<16384x1024xf32, #tpu.memory_space<hbm>> -> memref<32x1024xf32, #tpu.memory_space<hbm>>
    %dma_start3A_88 = arith.constant 0 : i32
    %dma_start3A_89 = tpu.memref_slice %arg3[%add3A_80, %dma_start3A_88] : memref<16384x1024xf32, #tpu.memory_space<hbm>> -> memref<32x1024xf32, #tpu.memory_space<hbm>>
    %dma_start3A_90 = arith.constant 0 : i32
    %dma_start3A_91 = arith.constant 0 : i32
    %dma_start3A_92 = tpu.memref_slice %arg4[%dma_start3A_81, %dma_start3A_90, %dma_start3A_91] : memref<2x32x1024xf32, #tpu.memory_space<vmem>> -> memref<1x32x1024xf32, #tpu.memory_space<vmem>>
    %dma_start3A_93 = tpu.memref_squeeze %dma_start3A_92 : memref<1x32x1024xf32, #tpu.memory_space<vmem>> -> memref<32x1024xf32, #tpu.memory_space<vmem>>
    tpu.enqueue_dma source(%dma_start3A_93 : memref<32x1024xf32, #tpu.memory_space<vmem>>) target(%dma_start3A_89 : memref<32x1024xf32, #tpu.memory_space<hbm>>) target_semaphore(%arg6 : memref<!tpu.dma_semaphore, #tpu.memory_space<semaphore_mem>>)
    %add3A_94 = arith.constant 32 : i32
    %add3A_95 = arith.addi %mul3A_32, %add3A_94 : i32
    %dma_wait3A_96 = arith.constant 1 : i32
    %dma_wait3A_97 = arith.constant 0 : i32
    %dma_wait3A_98 = arith.constant 0 : i32
    %dma_wait3A_99 = tpu.memref_slice %arg4[%dma_wait3A_96, %dma_wait3A_97, %dma_wait3A_98] : memref<2x32x1024xf32, #tpu.memory_space<vmem>> -> memref<1x32x1024xf32, #tpu.memory_space<vmem>>
    %dma_wait3A_100 = tpu.memref_squeeze %dma_wait3A_99 : memref<1x32x1024xf32, #tpu.memory_space<vmem>> -> memref<32x1024xf32, #tpu.memory_space<vmem>>
    %dma_wait3A_101 = arith.constant 0 : i32
    %dma_wait3A_102 = tpu.memref_slice %arg2[%add3A_95, %dma_wait3A_101] : memref<8192x1024xf32, #tpu.memory_space<hbm>> -> memref<32x1024xf32, #tpu.memory_space<hbm>>
    %dma_wait3A_103 = arith.constant 0 : i32
    %dma_wait3A_104 = arith.constant 0 : i32
    %dma_wait3A_105 = tpu.memref_slice %arg4[%dma_wait3A_96, %dma_wait3A_103, %dma_wait3A_104] : memref<2x32x1024xf32, #tpu.memory_space<vmem>> -> memref<1x32x1024xf32, #tpu.memory_space<vmem>>
    %dma_wait3A_106 = tpu.memref_squeeze %dma_wait3A_105 : memref<1x32x1024xf32, #tpu.memory_space<vmem>> -> memref<32x1024xf32, #tpu.memory_space<vmem>>
    %dma_wait3A_107 = arith.constant 0 : i32
    %dma_wait3A_108 = tpu.memref_slice %arg2[%add3A_95, %dma_wait3A_107] : memref<8192x1024xf32, #tpu.memory_space<hbm>> -> memref<32x1024xf32, #tpu.memory_space<hbm>>
    tpu.wait_dma2 semaphore(%arg5 : memref<!tpu.dma_semaphore, #tpu.memory_space<semaphore_mem>>) src(%dma_wait3A_108 : memref<32x1024xf32, #tpu.memory_space<hbm>>) dst(%dma_wait3A_106 : memref<32x1024xf32, #tpu.memory_space<vmem>>)
    %add3A_109 = arith.constant 0 : i32
    %add3A_110 = arith.addi %add3A_35, %add3A_109 : i32
    %dma_wait3A_111 = arith.constant 0 : i32
    %dma_wait3A_112 = arith.constant 0 : i32
    %dma_wait3A_113 = arith.constant 0 : i32
    %dma_wait3A_114 = tpu.memref_slice %arg4[%dma_wait3A_111, %dma_wait3A_112, %dma_wait3A_113] : memref<2x32x1024xf32, #tpu.memory_space<vmem>> -> memref<1x32x1024xf32, #tpu.memory_space<vmem>>
    %dma_wait3A_115 = tpu.memref_squeeze %dma_wait3A_114 : memref<1x32x1024xf32, #tpu.memory_space<vmem>> -> memref<32x1024xf32, #tpu.memory_space<vmem>>
    %dma_wait3A_116 = arith.constant 0 : i32
    %dma_wait3A_117 = tpu.memref_slice %arg3[%add3A_110, %dma_wait3A_116] : memref<16384x1024xf32, #tpu.memory_space<hbm>> -> memref<32x1024xf32, #tpu.memory_space<hbm>>
    %dma_wait3A_118 = arith.constant 0 : i32
    %dma_wait3A_119 = tpu.memref_slice %arg3[%add3A_110, %dma_wait3A_118] : memref<16384x1024xf32, #tpu.memory_space<hbm>> -> memref<32x1024xf32, #tpu.memory_space<hbm>>
    %dma_wait3A_120 = arith.constant 0 : i32
    %dma_wait3A_121 = arith.constant 0 : i32
    %dma_wait3A_122 = tpu.memref_slice %arg4[%dma_wait3A_111, %dma_wait3A_120, %dma_wait3A_121] : memref<2x32x1024xf32, #tpu.memory_space<vmem>> -> memref<1x32x1024xf32, #tpu.memory_space<vmem>>
    %dma_wait3A_123 = tpu.memref_squeeze %dma_wait3A_122 : memref<1x32x1024xf32, #tpu.memory_space<vmem>> -> memref<32x1024xf32, #tpu.memory_space<vmem>>
    tpu.wait_dma2 semaphore(%arg6 : memref<!tpu.dma_semaphore, #tpu.memory_space<semaphore_mem>>) src(%dma_wait3A_123 : memref<32x1024xf32, #tpu.memory_space<vmem>>) dst(%dma_wait3A_119 : memref<32x1024xf32, #tpu.memory_space<hbm>>)
    %add3A_124 = arith.constant 64 : i32
    %add3A_125 = arith.addi %mul3A_32, %add3A_124 : i32
    %dma_start3A_126 = arith.constant 0 : i32
    %dma_start3A_127 = arith.constant 0 : i32
    %dma_start3A_128 = arith.constant 0 : i32
    %dma_start3A_129 = tpu.memref_slice %arg4[%dma_start3A_126, %dma_start3A_127, %dma_start3A_128] : memref<2x32x1024xf32, #tpu.memory_space<vmem>> -> memref<1x32x1024xf32, #tpu.memory_space<vmem>>
    %dma_start3A_130 = tpu.memref_squeeze %dma_start3A_129 : memref<1x32x1024xf32, #tpu.memory_space<vmem>> -> memref<32x1024xf32, #tpu.memory_space<vmem>>
    %dma_start3A_131 = arith.constant 0 : i32
    %dma_start3A_132 = tpu.memref_slice %arg2[%add3A_125, %dma_start3A_131] : memref<8192x1024xf32, #tpu.memory_space<hbm>> -> memref<32x1024xf32, #tpu.memory_space<hbm>>
    %dma_start3A_133 = arith.constant 0 : i32
    %dma_start3A_134 = arith.constant 0 : i32
    %dma_start3A_135 = tpu.memref_slice %arg4[%dma_start3A_126, %dma_start3A_133, %dma_start3A_134] : memref<2x32x1024xf32, #tpu.memory_space<vmem>> -> memref<1x32x1024xf32, #tpu.memory_space<vmem>>
    %dma_start3A_136 = tpu.memref_squeeze %dma_start3A_135 : memref<1x32x1024xf32, #tpu.memory_space<vmem>> -> memref<32x1024xf32, #tpu.memory_space<vmem>>
    %dma_start3A_137 = arith.constant 0 : i32
    %dma_start3A_138 = tpu.memref_slice %arg2[%add3A_125, %dma_start3A_137] : memref<8192x1024xf32, #tpu.memory_space<hbm>> -> memref<32x1024xf32, #tpu.memory_space<hbm>>
    tpu.enqueue_dma source(%dma_start3A_138 : memref<32x1024xf32, #tpu.memory_space<hbm>>) target(%dma_start3A_136 : memref<32x1024xf32, #tpu.memory_space<vmem>>) target_semaphore(%arg5 : memref<!tpu.dma_semaphore, #tpu.memory_space<semaphore_mem>>)
    %add3A_139 = arith.constant 32 : i32
    %add3A_140 = arith.addi %add3A_35, %add3A_139 : i32
    %dma_start3A_141 = arith.constant 1 : i32
    %dma_start3A_142 = arith.constant 0 : i32
    %dma_start3A_143 = arith.constant 0 : i32
    %dma_start3A_144 = tpu.memref_slice %arg4[%dma_start3A_141, %dma_start3A_142, %dma_start3A_143] : memref<2x32x1024xf32, #tpu.memory_space<vmem>> -> memref<1x32x1024xf32, #tpu.memory_space<vmem>>
    %dma_start3A_145 = tpu.memref_squeeze %dma_start3A_144 : memref<1x32x1024xf32, #tpu.memory_space<vmem>> -> memref<32x1024xf32, #tpu.memory_space<vmem>>
    %dma_start3A_146 = arith.constant 0 : i32
    %dma_start3A_147 = tpu.memref_slice %arg3[%add3A_140, %dma_start3A_146] : memref<16384x1024xf32, #tpu.memory_space<hbm>> -> memref<32x1024xf32, #tpu.memory_space<hbm>>
    %dma_start3A_148 = arith.constant 0 : i32
    %dma_start3A_149 = tpu.memref_slice %arg3[%add3A_140, %dma_start3A_148] : memref<16384x1024xf32, #tpu.memory_space<hbm>> -> memref<32x1024xf32, #tpu.memory_space<hbm>>
    %dma_start3A_150 = arith.constant 0 : i32
    %dma_start3A_151 = arith.constant 0 : i32
    %dma_start3A_152 = tpu.memref_slice %arg4[%dma_start3A_141, %dma_start3A_150, %dma_start3A_151] : memref<2x32x1024xf32, #tpu.memory_space<vmem>> -> memref<1x32x1024xf32, #tpu.memory_space<vmem>>
    %dma_start3A_153 = tpu.memref_squeeze %dma_start3A_152 : memref<1x32x1024xf32, #tpu.memory_space<vmem>> -> memref<32x1024xf32, #tpu.memory_space<vmem>>
    tpu.enqueue_dma source(%dma_start3A_153 : memref<32x1024xf32, #tpu.memory_space<vmem>>) target(%dma_start3A_149 : memref<32x1024xf32, #tpu.memory_space<hbm>>) target_semaphore(%arg6 : memref<!tpu.dma_semaphore, #tpu.memory_space<semaphore_mem>>)
    %add3A_154 = arith.constant 64 : i32
    %add3A_155 = arith.addi %mul3A_32, %add3A_154 : i32
    %dma_wait3A_156 = arith.constant 0 : i32
    %dma_wait3A_157 = arith.constant 0 : i32
    %dma_wait3A_158 = arith.constant 0 : i32
    %dma_wait3A_159 = tpu.memref_slice %arg4[%dma_wait3A_156, %dma_wait3A_157, %dma_wait3A_158] : memref<2x32x1024xf32, #tpu.memory_space<vmem>> -> memref<1x32x1024xf32, #tpu.memory_space<vmem>>
    %dma_wait3A_160 = tpu.memref_squeeze %dma_wait3A_159 : memref<1x32x1024xf32, #tpu.memory_space<vmem>> -> memref<32x1024xf32, #tpu.memory_space<vmem>>
    %dma_wait3A_161 = arith.constant 0 : i32
    %dma_wait3A_162 = tpu.memref_slice %arg2[%add3A_155, %dma_wait3A_161] : memref<8192x1024xf32, #tpu.memory_space<hbm>> -> memref<32x1024xf32, #tpu.memory_space<hbm>>
    %dma_wait3A_163 = arith.constant 0 : i32
    %dma_wait3A_164 = arith.constant 0 : i32
    %dma_wait3A_165 = tpu.memref_slice %arg4[%dma_wait3A_156, %dma_wait3A_163, %dma_wait3A_164] : memref<2x32x1024xf32, #tpu.memory_space<vmem>> -> memref<1x32x1024xf32, #tpu.memory_space<vmem>>
    %dma_wait3A_166 = tpu.memref_squeeze %dma_wait3A_165 : memref<1x32x1024xf32, #tpu.memory_space<vmem>> -> memref<32x1024xf32, #tpu.memory_space<vmem>>
    %dma_wait3A_167 = arith.constant 0 : i32
    %dma_wait3A_168 = tpu.memref_slice %arg2[%add3A_155, %dma_wait3A_167] : memref<8192x1024xf32, #tpu.memory_space<hbm>> -> memref<32x1024xf32, #tpu.memory_space<hbm>>
    tpu.wait_dma2 semaphore(%arg5 : memref<!tpu.dma_semaphore, #tpu.memory_space<semaphore_mem>>) src(%dma_wait3A_168 : memref<32x1024xf32, #tpu.memory_space<hbm>>) dst(%dma_wait3A_166 : memref<32x1024xf32, #tpu.memory_space<vmem>>)
    %add3A_169 = arith.constant 32 : i32
    %add3A_170 = arith.addi %add3A_35, %add3A_169 : i32
    %dma_wait3A_171 = arith.constant 1 : i32
    %dma_wait3A_172 = arith.constant 0 : i32
    %dma_wait3A_173 = arith.constant 0 : i32
    %dma_wait3A_174 = tpu.memref_slice %arg4[%dma_wait3A_171, %dma_wait3A_172, %dma_wait3A_173] : memref<2x32x1024xf32, #tpu.memory_space<vmem>> -> memref<1x32x1024xf32, #tpu.memory_space<vmem>>
    %dma_wait3A_175 = tpu.memref_squeeze %dma_wait3A_174 : memref<1x32x1024xf32, #tpu.memory_space<vmem>> -> memref<32x1024xf32, #tpu.memory_space<vmem>>
    %dma_wait3A_176 = arith.constant 0 : i32
    %dma_wait3A_177 = tpu.memref_slice %arg3[%add3A_170, %dma_wait3A_176] : memref<16384x1024xf32, #tpu.memory_space<hbm>> -> memref<32x1024xf32, #tpu.memory_space<hbm>>
    %dma_wait3A_178 = arith.constant 0 : i32
    %dma_wait3A_179 = tpu.memref_slice %arg3[%add3A_170, %dma_wait3A_178] : memref<16384x1024xf32, #tpu.memory_space<hbm>> -> memref<32x1024xf32, #tpu.memory_space<hbm>>
    %dma_wait3A_180 = arith.constant 0 : i32
    %dma_wait3A_181 = arith.constant 0 : i32
    %dma_wait3A_182 = tpu.memref_slice %arg4[%dma_wait3A_171, %dma_wait3A_180, %dma_wait3A_181] : memref<2x32x1024xf32, #tpu.memory_space<vmem>> -> memref<1x32x1024xf32, #tpu.memory_space<vmem>>
    %dma_wait3A_183 = tpu.memref_squeeze %dma_wait3A_182 : memref<1x32x1024xf32, #tpu.memory_space<vmem>> -> memref<32x1024xf32, #tpu.memory_space<vmem>>
    tpu.wait_dma2 semaphore(%arg6 : memref<!tpu.dma_semaphore, #tpu.memory_space<semaphore_mem>>) src(%dma_wait3A_183 : memref<32x1024xf32, #tpu.memory_space<vmem>>) dst(%dma_wait3A_179 : memref<32x1024xf32, #tpu.memory_space<hbm>>)
    %add3A_184 = arith.constant 96 : i32
    %add3A_185 = arith.addi %mul3A_32, %add3A_184 : i32
    %dma_start3A_186 = arith.constant 1 : i32
    %dma_start3A_187 = arith.constant 0 : i32
    %dma_start3A_188 = arith.constant 0 : i32
    %dma_start3A_189 = tpu.memref_slice %arg4[%dma_start3A_186, %dma_start3A_187, %dma_start3A_188] : memref<2x32x1024xf32, #tpu.memory_space<vmem>> -> memref<1x32x1024xf32, #tpu.memory_space<vmem>>
    %dma_start3A_190 = tpu.memref_squeeze %dma_start3A_189 : memref<1x32x1024xf32, #tpu.memory_space<vmem>> -> memref<32x1024xf32, #tpu.memory_space<vmem>>
    %dma_start3A_191 = arith.constant 0 : i32
    %dma_start3A_192 = tpu.memref_slice %arg2[%add3A_185, %dma_start3A_191] : memref<8192x1024xf32, #tpu.memory_space<hbm>> -> memref<32x1024xf32, #tpu.memory_space<hbm>>
    %dma_start3A_193 = arith.constant 0 : i32
    %dma_start3A_194 = arith.constant 0 : i32
    %dma_start3A_195 = tpu.memref_slice %arg4[%dma_start3A_186, %dma_start3A_193, %dma_start3A_194] : memref<2x32x1024xf32, #tpu.memory_space<vmem>> -> memref<1x32x1024xf32, #tpu.memory_space<vmem>>
    %dma_start3A_196 = tpu.memref_squeeze %dma_start3A_195 : memref<1x32x1024xf32, #tpu.memory_space<vmem>> -> memref<32x1024xf32, #tpu.memory_space<vmem>>
    %dma_start3A_197 = arith.constant 0 : i32
    %dma_start3A_198 = tpu.memref_slice %arg2[%add3A_185, %dma_start3A_197] : memref<8192x1024xf32, #tpu.memory_space<hbm>> -> memref<32x1024xf32, #tpu.memory_space<hbm>>
    tpu.enqueue_dma source(%dma_start3A_198 : memref<32x1024xf32, #tpu.memory_space<hbm>>) target(%dma_start3A_196 : memref<32x1024xf32, #tpu.memory_space<vmem>>) target_semaphore(%arg5 : memref<!tpu.dma_semaphore, #tpu.memory_space<semaphore_mem>>)
    %add3A_199 = arith.constant 64 : i32
    %add3A_200 = arith.addi %add3A_35, %add3A_199 : i32
    %dma_start3A_201 = arith.constant 0 : i32
    %dma_start3A_202 = arith.constant 0 : i32
    %dma_start3A_203 = arith.constant 0 : i32
    %dma_start3A_204 = tpu.memref_slice %arg4[%dma_start3A_201, %dma_start3A_202, %dma_start3A_203] : memref<2x32x1024xf32, #tpu.memory_space<vmem>> -> memref<1x32x1024xf32, #tpu.memory_space<vmem>>
    %dma_start3A_205 = tpu.memref_squeeze %dma_start3A_204 : memref<1x32x1024xf32, #tpu.memory_space<vmem>> -> memref<32x1024xf32, #tpu.memory_space<vmem>>
    %dma_start3A_206 = arith.constant 0 : i32
    %dma_start3A_207 = tpu.memref_slice %arg3[%add3A_200, %dma_start3A_206] : memref<16384x1024xf32, #tpu.memory_space<hbm>> -> memref<32x1024xf32, #tpu.memory_space<hbm>>
    %dma_start3A_208 = arith.constant 0 : i32
    %dma_start3A_209 = tpu.memref_slice %arg3[%add3A_200, %dma_start3A_208] : memref<16384x1024xf32, #tpu.memory_space<hbm>> -> memref<32x1024xf32, #tpu.memory_space<hbm>>
    %dma_start3A_210 = arith.constant 0 : i32
    %dma_start3A_211 = arith.constant 0 : i32
    %dma_start3A_212 = tpu.memref_slice %arg4[%dma_start3A_201, %dma_start3A_210, %dma_start3A_211] : memref<2x32x1024xf32, #tpu.memory_space<vmem>> -> memref<1x32x1024xf32, #tpu.memory_space<vmem>>
    %dma_start3A_213 = tpu.memref_squeeze %dma_start3A_212 : memref<1x32x1024xf32, #tpu.memory_space<vmem>> -> memref<32x1024xf32, #tpu.memory_space<vmem>>
    tpu.enqueue_dma source(%dma_start3A_213 : memref<32x1024xf32, #tpu.memory_space<vmem>>) target(%dma_start3A_209 : memref<32x1024xf32, #tpu.memory_space<hbm>>) target_semaphore(%arg6 : memref<!tpu.dma_semaphore, #tpu.memory_space<semaphore_mem>>)
    %add3A_214 = arith.constant 96 : i32
    %add3A_215 = arith.addi %mul3A_32, %add3A_214 : i32
    %dma_wait3A_216 = arith.constant 1 : i32
    %dma_wait3A_217 = arith.constant 0 : i32
    %dma_wait3A_218 = arith.constant 0 : i32
    %dma_wait3A_219 = tpu.memref_slice %arg4[%dma_wait3A_216, %dma_wait3A_217, %dma_wait3A_218] : memref<2x32x1024xf32, #tpu.memory_space<vmem>> -> memref<1x32x1024xf32, #tpu.memory_space<vmem>>
    %dma_wait3A_220 = tpu.memref_squeeze %dma_wait3A_219 : memref<1x32x1024xf32, #tpu.memory_space<vmem>> -> memref<32x1024xf32, #tpu.memory_space<vmem>>
    %dma_wait3A_221 = arith.constant 0 : i32
    %dma_wait3A_222 = tpu.memref_slice %arg2[%add3A_215, %dma_wait3A_221] : memref<8192x1024xf32, #tpu.memory_space<hbm>> -> memref<32x1024xf32, #tpu.memory_space<hbm>>
    %dma_wait3A_223 = arith.constant 0 : i32
    %dma_wait3A_224 = arith.constant 0 : i32
    %dma_wait3A_225 = tpu.memref_slice %arg4[%dma_wait3A_216, %dma_wait3A_223, %dma_wait3A_224] : memref<2x32x1024xf32, #tpu.memory_space<vmem>> -> memref<1x32x1024xf32, #tpu.memory_space<vmem>>
    %dma_wait3A_226 = tpu.memref_squeeze %dma_wait3A_225 : memref<1x32x1024xf32, #tpu.memory_space<vmem>> -> memref<32x1024xf32, #tpu.memory_space<vmem>>
    %dma_wait3A_227 = arith.constant 0 : i32
    %dma_wait3A_228 = tpu.memref_slice %arg2[%add3A_215, %dma_wait3A_227] : memref<8192x1024xf32, #tpu.memory_space<hbm>> -> memref<32x1024xf32, #tpu.memory_space<hbm>>
    tpu.wait_dma2 semaphore(%arg5 : memref<!tpu.dma_semaphore, #tpu.memory_space<semaphore_mem>>) src(%dma_wait3A_228 : memref<32x1024xf32, #tpu.memory_space<hbm>>) dst(%dma_wait3A_226 : memref<32x1024xf32, #tpu.memory_space<vmem>>)
    %add3A_229 = arith.constant 64 : i32
    %add3A_230 = arith.addi %add3A_35, %add3A_229 : i32
    %dma_wait3A_231 = arith.constant 0 : i32
    %dma_wait3A_232 = arith.constant 0 : i32
    %dma_wait3A_233 = arith.constant 0 : i32
    %dma_wait3A_234 = tpu.memref_slice %arg4[%dma_wait3A_231, %dma_wait3A_232, %dma_wait3A_233] : memref<2x32x1024xf32, #tpu.memory_space<vmem>> -> memref<1x32x1024xf32, #tpu.memory_space<vmem>>
    %dma_wait3A_235 = tpu.memref_squeeze %dma_wait3A_234 : memref<1x32x1024xf32, #tpu.memory_space<vmem>> -> memref<32x1024xf32, #tpu.memory_space<vmem>>
    %dma_wait3A_236 = arith.constant 0 : i32
    %dma_wait3A_237 = tpu.memref_slice %arg3[%add3A_230, %dma_wait3A_236] : memref<16384x1024xf32, #tpu.memory_space<hbm>> -> memref<32x1024xf32, #tpu.memory_space<hbm>>
    %dma_wait3A_238 = arith.constant 0 : i32
    %dma_wait3A_239 = tpu.memref_slice %arg3[%add3A_230, %dma_wait3A_238] : memref<16384x1024xf32, #tpu.memory_space<hbm>> -> memref<32x1024xf32, #tpu.memory_space<hbm>>
    %dma_wait3A_240 = arith.constant 0 : i32
    %dma_wait3A_241 = arith.constant 0 : i32
    %dma_wait3A_242 = tpu.memref_slice %arg4[%dma_wait3A_231, %dma_wait3A_240, %dma_wait3A_241] : memref<2x32x1024xf32, #tpu.memory_space<vmem>> -> memref<1x32x1024xf32, #tpu.memory_space<vmem>>
    %dma_wait3A_243 = tpu.memref_squeeze %dma_wait3A_242 : memref<1x32x1024xf32, #tpu.memory_space<vmem>> -> memref<32x1024xf32, #tpu.memory_space<vmem>>
    tpu.wait_dma2 semaphore(%arg6 : memref<!tpu.dma_semaphore, #tpu.memory_space<semaphore_mem>>) src(%dma_wait3A_243 : memref<32x1024xf32, #tpu.memory_space<vmem>>) dst(%dma_wait3A_239 : memref<32x1024xf32, #tpu.memory_space<hbm>>)
    %add3A_244 = arith.constant 128 : i32
    %add3A_245 = arith.addi %mul3A_32, %add3A_244 : i32
    %dma_start3A_246 = arith.constant 0 : i32
    %dma_start3A_247 = arith.constant 0 : i32
    %dma_start3A_248 = arith.constant 0 : i32
    %dma_start3A_249 = tpu.memref_slice %arg4[%dma_start3A_246, %dma_start3A_247, %dma_start3A_248] : memref<2x32x1024xf32, #tpu.memory_space<vmem>> -> memref<1x32x1024xf32, #tpu.memory_space<vmem>>
    %dma_start3A_250 = tpu.memref_squeeze %dma_start3A_249 : memref<1x32x1024xf32, #tpu.memory_space<vmem>> -> memref<32x1024xf32, #tpu.memory_space<vmem>>
    %dma_start3A_251 = arith.constant 0 : i32
    %dma_start3A_252 = tpu.memref_slice %arg2[%add3A_245, %dma_start3A_251] : memref<8192x1024xf32, #tpu.memory_space<hbm>> -> memref<32x1024xf32, #tpu.memory_space<hbm>>
    %dma_start3A_253 = arith.constant 0 : i32
    %dma_start3A_254 = arith.constant 0 : i32
    %dma_start3A_255 = tpu.memref_slice %arg4[%dma_start3A_246, %dma_start3A_253, %dma_start3A_254] : memref<2x32x1024xf32, #tpu.memory_space<vmem>> -> memref<1x32x1024xf32, #tpu.memory_space<vmem>>
    %dma_start3A_256 = tpu.memref_squeeze %dma_start3A_255 : memref<1x32x1024xf32, #tpu.memory_space<vmem>> -> memref<32x1024xf32, #tpu.memory_space<vmem>>
    %dma_start3A_257 = arith.constant 0 : i32
    %dma_start3A_258 = tpu.memref_slice %arg2[%add3A_245, %dma_start3A_257] : memref<8192x1024xf32, #tpu.memory_space<hbm>> -> memref<32x1024xf32, #tpu.memory_space<hbm>>
    tpu.enqueue_dma source(%dma_start3A_258 : memref<32x1024xf32, #tpu.memory_space<hbm>>) target(%dma_start3A_256 : memref<32x1024xf32, #tpu.memory_space<vmem>>) target_semaphore(%arg5 : memref<!tpu.dma_semaphore, #tpu.memory_space<semaphore_mem>>)
    %add3A_259 = arith.constant 96 : i32
    %add3A_260 = arith.addi %add3A_35, %add3A_259 : i32
    %dma_start3A_261 = arith.constant 1 : i32
    %dma_start3A_262 = arith.constant 0 : i32
    %dma_start3A_263 = arith.constant 0 : i32
    %dma_start3A_264 = tpu.memref_slice %arg4[%dma_start3A_261, %dma_start3A_262, %dma_start3A_263] : memref<2x32x1024xf32, #tpu.memory_space<vmem>> -> memref<1x32x1024xf32, #tpu.memory_space<vmem>>
    %dma_start3A_265 = tpu.memref_squeeze %dma_start3A_264 : memref<1x32x1024xf32, #tpu.memory_space<vmem>> -> memref<32x1024xf32, #tpu.memory_space<vmem>>
    %dma_start3A_266 = arith.constant 0 : i32
    %dma_start3A_267 = tpu.memref_slice %arg3[%add3A_260, %dma_start3A_266] : memref<16384x1024xf32, #tpu.memory_space<hbm>> -> memref<32x1024xf32, #tpu.memory_space<hbm>>
    %dma_start3A_268 = arith.constant 0 : i32
    %dma_start3A_269 = tpu.memref_slice %arg3[%add3A_260, %dma_start3A_268] : memref<16384x1024xf32, #tpu.memory_space<hbm>> -> memref<32x1024xf32, #tpu.memory_space<hbm>>
    %dma_start3A_270 = arith.constant 0 : i32
    %dma_start3A_271 = arith.constant 0 : i32
    %dma_start3A_272 = tpu.memref_slice %arg4[%dma_start3A_261, %dma_start3A_270, %dma_start3A_271] : memref<2x32x1024xf32, #tpu.memory_space<vmem>> -> memref<1x32x1024xf32, #tpu.memory_space<vmem>>
    %dma_start3A_273 = tpu.memref_squeeze %dma_start3A_272 : memref<1x32x1024xf32, #tpu.memory_space<vmem>> -> memref<32x1024xf32, #tpu.memory_space<vmem>>
    tpu.enqueue_dma source(%dma_start3A_273 : memref<32x1024xf32, #tpu.memory_space<vmem>>) target(%dma_start3A_269 : memref<32x1024xf32, #tpu.memory_space<hbm>>) target_semaphore(%arg6 : memref<!tpu.dma_semaphore, #tpu.memory_space<semaphore_mem>>)
    %add3A_274 = arith.constant 128 : i32
    %add3A_275 = arith.addi %mul3A_32, %add3A_274 : i32
    %dma_wait3A_276 = arith.constant 0 : i32
    %dma_wait3A_277 = arith.constant 0 : i32
    %dma_wait3A_278 = arith.constant 0 : i32
    %dma_wait3A_279 = tpu.memref_slice %arg4[%dma_wait3A_276, %dma_wait3A_277, %dma_wait3A_278] : memref<2x32x1024xf32, #tpu.memory_space<vmem>> -> memref<1x32x1024xf32, #tpu.memory_space<vmem>>
    %dma_wait3A_280 = tpu.memref_squeeze %dma_wait3A_279 : memref<1x32x1024xf32, #tpu.memory_space<vmem>> -> memref<32x1024xf32, #tpu.memory_space<vmem>>
    %dma_wait3A_281 = arith.constant 0 : i32
    %dma_wait3A_282 = tpu.memref_slice %arg2[%add3A_275, %dma_wait3A_281] : memref<8192x1024xf32, #tpu.memory_space<hbm>> -> memref<32x1024xf32, #tpu.memory_space<hbm>>
    %dma_wait3A_283 = arith.constant 0 : i32
    %dma_wait3A_284 = arith.constant 0 : i32
    %dma_wait3A_285 = tpu.memref_slice %arg4[%dma_wait3A_276, %dma_wait3A_283, %dma_wait3A_284] : memref<2x32x1024xf32, #tpu.memory_space<vmem>> -> memref<1x32x1024xf32, #tpu.memory_space<vmem>>
    %dma_wait3A_286 = tpu.memref_squeeze %dma_wait3A_285 : memref<1x32x1024xf32, #tpu.memory_space<vmem>> -> memref<32x1024xf32, #tpu.memory_space<vmem>>
    %dma_wait3A_287 = arith.constant 0 : i32
    %dma_wait3A_288 = tpu.memref_slice %arg2[%add3A_275, %dma_wait3A_287] : memref<8192x1024xf32, #tpu.memory_space<hbm>> -> memref<32x1024xf32, #tpu.memory_space<hbm>>
    tpu.wait_dma2 semaphore(%arg5 : memref<!tpu.dma_semaphore, #tpu.memory_space<semaphore_mem>>) src(%dma_wait3A_288 : memref<32x1024xf32, #tpu.memory_space<hbm>>) dst(%dma_wait3A_286 : memref<32x1024xf32, #tpu.memory_space<vmem>>)
    %add3A_289 = arith.constant 96 : i32
    %add3A_290 = arith.addi %add3A_35, %add3A_289 : i32
    %dma_wait3A_291 = arith.constant 1 : i32
    %dma_wait3A_292 = arith.constant 0 : i32
    %dma_wait3A_293 = arith.constant 0 : i32
    %dma_wait3A_294 = tpu.memref_slice %arg4[%dma_wait3A_291, %dma_wait3A_292, %dma_wait3A_293] : memref<2x32x1024xf32, #tpu.memory_space<vmem>> -> memref<1x32x1024xf32, #tpu.memory_space<vmem>>
    %dma_wait3A_295 = tpu.memref_squeeze %dma_wait3A_294 : memref<1x32x1024xf32, #tpu.memory_space<vmem>> -> memref<32x1024xf32, #tpu.memory_space<vmem>>
    %dma_wait3A_296 = arith.constant 0 : i32
    %dma_wait3A_297 = tpu.memref_slice %arg3[%add3A_290, %dma_wait3A_296] : memref<16384x1024xf32, #tpu.memory_space<hbm>> -> memref<32x1024xf32, #tpu.memory_space<hbm>>
    %dma_wait3A_298 = arith.constant 0 : i32
    %dma_wait3A_299 = tpu.memref_slice %arg3[%add3A_290, %dma_wait3A_298] : memref<16384x1024xf32, #tpu.memory_space<hbm>> -> memref<32x1024xf32, #tpu.memory_space<hbm>>
    %dma_wait3A_300 = arith.constant 0 : i32
    %dma_wait3A_301 = arith.constant 0 : i32
    %dma_wait3A_302 = tpu.memref_slice %arg4[%dma_wait3A_291, %dma_wait3A_300, %dma_wait3A_301] : memref<2x32x1024xf32, #tpu.memory_space<vmem>> -> memref<1x32x1024xf32, #tpu.memory_space<vmem>>
    %dma_wait3A_303 = tpu.memref_squeeze %dma_wait3A_302 : memref<1x32x1024xf32, #tpu.memory_space<vmem>> -> memref<32x1024xf32, #tpu.memory_space<vmem>>
    tpu.wait_dma2 semaphore(%arg6 : memref<!tpu.dma_semaphore, #tpu.memory_space<semaphore_mem>>) src(%dma_wait3A_303 : memref<32x1024xf32, #tpu.memory_space<vmem>>) dst(%dma_wait3A_299 : memref<32x1024xf32, #tpu.memory_space<hbm>>)
    %add3A_304 = arith.constant 160 : i32
    %add3A_305 = arith.addi %mul3A_32, %add3A_304 : i32
    %dma_start3A_306 = arith.constant 1 : i32
    %dma_start3A_307 = arith.constant 0 : i32
    %dma_start3A_308 = arith.constant 0 : i32
    %dma_start3A_309 = tpu.memref_slice %arg4[%dma_start3A_306, %dma_start3A_307, %dma_start3A_308] : memref<2x32x1024xf32, #tpu.memory_space<vmem>> -> memref<1x32x1024xf32, #tpu.memory_space<vmem>>
    %dma_start3A_310 = tpu.memref_squeeze %dma_start3A_309 : memref<1x32x1024xf32, #tpu.memory_space<vmem>> -> memref<32x1024xf32, #tpu.memory_space<vmem>>
    %dma_start3A_311 = arith.constant 0 : i32
    %dma_start3A_312 = tpu.memref_slice %arg2[%add3A_305, %dma_start3A_311] : memref<8192x1024xf32, #tpu.memory_space<hbm>> -> memref<32x1024xf32, #tpu.memory_space<hbm>>
    %dma_start3A_313 = arith.constant 0 : i32
    %dma_start3A_314 = arith.constant 0 : i32
    %dma_start3A_315 = tpu.memref_slice %arg4[%dma_start3A_306, %dma_start3A_313, %dma_start3A_314] : memref<2x32x1024xf32, #tpu.memory_space<vmem>> -> memref<1x32x1024xf32, #tpu.memory_space<vmem>>
    %dma_start3A_316 = tpu.memref_squeeze %dma_start3A_315 : memref<1x32x1024xf32, #tpu.memory_space<vmem>> -> memref<32x1024xf32, #tpu.memory_space<vmem>>
    %dma_start3A_317 = arith.constant 0 : i32
    %dma_start3A_318 = tpu.memref_slice %arg2[%add3A_305, %dma_start3A_317] : memref<8192x1024xf32, #tpu.memory_space<hbm>> -> memref<32x1024xf32, #tpu.memory_space<hbm>>
    tpu.enqueue_dma source(%dma_start3A_318 : memref<32x1024xf32, #tpu.memory_space<hbm>>) target(%dma_start3A_316 : memref<32x1024xf32, #tpu.memory_space<vmem>>) target_semaphore(%arg5 : memref<!tpu.dma_semaphore, #tpu.memory_space<semaphore_mem>>)
    %add3A_319 = arith.constant 128 : i32
    %add3A_320 = arith.addi %add3A_35, %add3A_319 : i32
    %dma_start3A_321 = arith.constant 0 : i32
    %dma_start3A_322 = arith.constant 0 : i32
    %dma_start3A_323 = arith.constant 0 : i32
    %dma_start3A_324 = tpu.memref_slice %arg4[%dma_start3A_321, %dma_start3A_322, %dma_start3A_323] : memref<2x32x1024xf32, #tpu.memory_space<vmem>> -> memref<1x32x1024xf32, #tpu.memory_space<vmem>>
    %dma_start3A_325 = tpu.memref_squeeze %dma_start3A_324 : memref<1x32x1024xf32, #tpu.memory_space<vmem>> -> memref<32x1024xf32, #tpu.memory_space<vmem>>
    %dma_start3A_326 = arith.constant 0 : i32
    %dma_start3A_327 = tpu.memref_slice %arg3[%add3A_320, %dma_start3A_326] : memref<16384x1024xf32, #tpu.memory_space<hbm>> -> memref<32x1024xf32, #tpu.memory_space<hbm>>
    %dma_start3A_328 = arith.constant 0 : i32
    %dma_start3A_329 = tpu.memref_slice %arg3[%add3A_320, %dma_start3A_328] : memref<16384x1024xf32, #tpu.memory_space<hbm>> -> memref<32x1024xf32, #tpu.memory_space<hbm>>
    %dma_start3A_330 = arith.constant 0 : i32
    %dma_start3A_331 = arith.constant 0 : i32
    %dma_start3A_332 = tpu.memref_slice %arg4[%dma_start3A_321, %dma_start3A_330, %dma_start3A_331] : memref<2x32x1024xf32, #tpu.memory_space<vmem>> -> memref<1x32x1024xf32, #tpu.memory_space<vmem>>
    %dma_start3A_333 = tpu.memref_squeeze %dma_start3A_332 : memref<1x32x1024xf32, #tpu.memory_space<vmem>> -> memref<32x1024xf32, #tpu.memory_space<vmem>>
    tpu.enqueue_dma source(%dma_start3A_333 : memref<32x1024xf32, #tpu.memory_space<vmem>>) target(%dma_start3A_329 : memref<32x1024xf32, #tpu.memory_space<hbm>>) target_semaphore(%arg6 : memref<!tpu.dma_semaphore, #tpu.memory_space<semaphore_mem>>)
    %add3A_334 = arith.constant 160 : i32
    %add3A_335 = arith.addi %mul3A_32, %add3A_334 : i32
    %dma_wait3A_336 = arith.constant 1 : i32
    %dma_wait3A_337 = arith.constant 0 : i32
    %dma_wait3A_338 = arith.constant 0 : i32
    %dma_wait3A_339 = tpu.memref_slice %arg4[%dma_wait3A_336, %dma_wait3A_337, %dma_wait3A_338] : memref<2x32x1024xf32, #tpu.memory_space<vmem>> -> memref<1x32x1024xf32, #tpu.memory_space<vmem>>
    %dma_wait3A_340 = tpu.memref_squeeze %dma_wait3A_339 : memref<1x32x1024xf32, #tpu.memory_space<vmem>> -> memref<32x1024xf32, #tpu.memory_space<vmem>>
    %dma_wait3A_341 = arith.constant 0 : i32
    %dma_wait3A_342 = tpu.memref_slice %arg2[%add3A_335, %dma_wait3A_341] : memref<8192x1024xf32, #tpu.memory_space<hbm>> -> memref<32x1024xf32, #tpu.memory_space<hbm>>
    %dma_wait3A_343 = arith.constant 0 : i32
    %dma_wait3A_344 = arith.constant 0 : i32
    %dma_wait3A_345 = tpu.memref_slice %arg4[%dma_wait3A_336, %dma_wait3A_343, %dma_wait3A_344] : memref<2x32x1024xf32, #tpu.memory_space<vmem>> -> memref<1x32x1024xf32, #tpu.memory_space<vmem>>
    %dma_wait3A_346 = tpu.memref_squeeze %dma_wait3A_345 : memref<1x32x1024xf32, #tpu.memory_space<vmem>> -> memref<32x1024xf32, #tpu.memory_space<vmem>>
    %dma_wait3A_347 = arith.constant 0 : i32
    %dma_wait3A_348 = tpu.memref_slice %arg2[%add3A_335, %dma_wait3A_347] : memref<8192x1024xf32, #tpu.memory_space<hbm>> -> memref<32x1024xf32, #tpu.memory_space<hbm>>
    tpu.wait_dma2 semaphore(%arg5 : memref<!tpu.dma_semaphore, #tpu.memory_space<semaphore_mem>>) src(%dma_wait3A_348 : memref<32x1024xf32, #tpu.memory_space<hbm>>) dst(%dma_wait3A_346 : memref<32x1024xf32, #tpu.memory_space<vmem>>)
    %add3A_349 = arith.constant 128 : i32
    %add3A_350 = arith.addi %add3A_35, %add3A_349 : i32
    %dma_wait3A_351 = arith.constant 0 : i32
    %dma_wait3A_352 = arith.constant 0 : i32
    %dma_wait3A_353 = arith.constant 0 : i32
    %dma_wait3A_354 = tpu.memref_slice %arg4[%dma_wait3A_351, %dma_wait3A_352, %dma_wait3A_353] : memref<2x32x1024xf32, #tpu.memory_space<vmem>> -> memref<1x32x1024xf32, #tpu.memory_space<vmem>>
    %dma_wait3A_355 = tpu.memref_squeeze %dma_wait3A_354 : memref<1x32x1024xf32, #tpu.memory_space<vmem>> -> memref<32x1024xf32, #tpu.memory_space<vmem>>
    %dma_wait3A_356 = arith.constant 0 : i32
    %dma_wait3A_357 = tpu.memref_slice %arg3[%add3A_350, %dma_wait3A_356] : memref<16384x1024xf32, #tpu.memory_space<hbm>> -> memref<32x1024xf32, #tpu.memory_space<hbm>>
    %dma_wait3A_358 = arith.constant 0 : i32
    %dma_wait3A_359 = tpu.memref_slice %arg3[%add3A_350, %dma_wait3A_358] : memref<16384x1024xf32, #tpu.memory_space<hbm>> -> memref<32x1024xf32, #tpu.memory_space<hbm>>
    %dma_wait3A_360 = arith.constant 0 : i32
    %dma_wait3A_361 = arith.constant 0 : i32
    %dma_wait3A_362 = tpu.memref_slice %arg4[%dma_wait3A_351, %dma_wait3A_360, %dma_wait3A_361] : memref<2x32x1024xf32, #tpu.memory_space<vmem>> -> memref<1x32x1024xf32, #tpu.memory_space<vmem>>
    %dma_wait3A_363 = tpu.memref_squeeze %dma_wait3A_362 : memref<1x32x1024xf32, #tpu.memory_space<vmem>> -> memref<32x1024xf32, #tpu.memory_space<vmem>>
    tpu.wait_dma2 semaphore(%arg6 : memref<!tpu.dma_semaphore, #tpu.memory_space<semaphore_mem>>) src(%dma_wait3A_363 : memref<32x1024xf32, #tpu.memory_space<vmem>>) dst(%dma_wait3A_359 : memref<32x1024xf32, #tpu.memory_space<hbm>>)
    %add3A_364 = arith.constant 192 : i32
    %add3A_365 = arith.addi %mul3A_32, %add3A_364 : i32
    %dma_start3A_366 = arith.constant 0 : i32
    %dma_start3A_367 = arith.constant 0 : i32
    %dma_start3A_368 = arith.constant 0 : i32
    %dma_start3A_369 = tpu.memref_slice %arg4[%dma_start3A_366, %dma_start3A_367, %dma_start3A_368] : memref<2x32x1024xf32, #tpu.memory_space<vmem>> -> memref<1x32x1024xf32, #tpu.memory_space<vmem>>
    %dma_start3A_370 = tpu.memref_squeeze %dma_start3A_369 : memref<1x32x1024xf32, #tpu.memory_space<vmem>> -> memref<32x1024xf32, #tpu.memory_space<vmem>>
    %dma_start3A_371 = arith.constant 0 : i32
    %dma_start3A_372 = tpu.memref_slice %arg2[%add3A_365, %dma_start3A_371] : memref<8192x1024xf32, #tpu.memory_space<hbm>> -> memref<32x1024xf32, #tpu.memory_space<hbm>>
    %dma_start3A_373 = arith.constant 0 : i32
    %dma_start3A_374 = arith.constant 0 : i32
    %dma_start3A_375 = tpu.memref_slice %arg4[%dma_start3A_366, %dma_start3A_373, %dma_start3A_374] : memref<2x32x1024xf32, #tpu.memory_space<vmem>> -> memref<1x32x1024xf32, #tpu.memory_space<vmem>>
    %dma_start3A_376 = tpu.memref_squeeze %dma_start3A_375 : memref<1x32x1024xf32, #tpu.memory_space<vmem>> -> memref<32x1024xf32, #tpu.memory_space<vmem>>
    %dma_start3A_377 = arith.constant 0 : i32
    %dma_start3A_378 = tpu.memref_slice %arg2[%add3A_365, %dma_start3A_377] : memref<8192x1024xf32, #tpu.memory_space<hbm>> -> memref<32x1024xf32, #tpu.memory_space<hbm>>
    tpu.enqueue_dma source(%dma_start3A_378 : memref<32x1024xf32, #tpu.memory_space<hbm>>) target(%dma_start3A_376 : memref<32x1024xf32, #tpu.memory_space<vmem>>) target_semaphore(%arg5 : memref<!tpu.dma_semaphore, #tpu.memory_space<semaphore_mem>>)
    %add3A_379 = arith.constant 160 : i32
    %add3A_380 = arith.addi %add3A_35, %add3A_379 : i32
    %dma_start3A_381 = arith.constant 1 : i32
    %dma_start3A_382 = arith.constant 0 : i32
    %dma_start3A_383 = arith.constant 0 : i32
    %dma_start3A_384 = tpu.memref_slice %arg4[%dma_start3A_381, %dma_start3A_382, %dma_start3A_383] : memref<2x32x1024xf32, #tpu.memory_space<vmem>> -> memref<1x32x1024xf32, #tpu.memory_space<vmem>>
    %dma_start3A_385 = tpu.memref_squeeze %dma_start3A_384 : memref<1x32x1024xf32, #tpu.memory_space<vmem>> -> memref<32x1024xf32, #tpu.memory_space<vmem>>
    %dma_start3A_386 = arith.constant 0 : i32
    %dma_start3A_387 = tpu.memref_slice %arg3[%add3A_380, %dma_start3A_386] : memref<16384x1024xf32, #tpu.memory_space<hbm>> -> memref<32x1024xf32, #tpu.memory_space<hbm>>
    %dma_start3A_388 = arith.constant 0 : i32
    %dma_start3A_389 = tpu.memref_slice %arg3[%add3A_380, %dma_start3A_388] : memref<16384x1024xf32, #tpu.memory_space<hbm>> -> memref<32x1024xf32, #tpu.memory_space<hbm>>
    %dma_start3A_390 = arith.constant 0 : i32
    %dma_start3A_391 = arith.constant 0 : i32
    %dma_start3A_392 = tpu.memref_slice %arg4[%dma_start3A_381, %dma_start3A_390, %dma_start3A_391] : memref<2x32x1024xf32, #tpu.memory_space<vmem>> -> memref<1x32x1024xf32, #tpu.memory_space<vmem>>
    %dma_start3A_393 = tpu.memref_squeeze %dma_start3A_392 : memref<1x32x1024xf32, #tpu.memory_space<vmem>> -> memref<32x1024xf32, #tpu.memory_space<vmem>>
    tpu.enqueue_dma source(%dma_start3A_393 : memref<32x1024xf32, #tpu.memory_space<vmem>>) target(%dma_start3A_389 : memref<32x1024xf32, #tpu.memory_space<hbm>>) target_semaphore(%arg6 : memref<!tpu.dma_semaphore, #tpu.memory_space<semaphore_mem>>)
    %add3A_394 = arith.constant 192 : i32
    %add3A_395 = arith.addi %mul3A_32, %add3A_394 : i32
    %dma_wait3A_396 = arith.constant 0 : i32
    %dma_wait3A_397 = arith.constant 0 : i32
    %dma_wait3A_398 = arith.constant 0 : i32
    %dma_wait3A_399 = tpu.memref_slice %arg4[%dma_wait3A_396, %dma_wait3A_397, %dma_wait3A_398] : memref<2x32x1024xf32, #tpu.memory_space<vmem>> -> memref<1x32x1024xf32, #tpu.memory_space<vmem>>
    %dma_wait3A_400 = tpu.memref_squeeze %dma_wait3A_399 : memref<1x32x1024xf32, #tpu.memory_space<vmem>> -> memref<32x1024xf32, #tpu.memory_space<vmem>>
    %dma_wait3A_401 = arith.constant 0 : i32
    %dma_wait3A_402 = tpu.memref_slice %arg2[%add3A_395, %dma_wait3A_401] : memref<8192x1024xf32, #tpu.memory_space<hbm>> -> memref<32x1024xf32, #tpu.memory_space<hbm>>
    %dma_wait3A_403 = arith.constant 0 : i32
    %dma_wait3A_404 = arith.constant 0 : i32
    %dma_wait3A_405 = tpu.memref_slice %arg4[%dma_wait3A_396, %dma_wait3A_403, %dma_wait3A_404] : memref<2x32x1024xf32, #tpu.memory_space<vmem>> -> memref<1x32x1024xf32, #tpu.memory_space<vmem>>
    %dma_wait3A_406 = tpu.memref_squeeze %dma_wait3A_405 : memref<1x32x1024xf32, #tpu.memory_space<vmem>> -> memref<32x1024xf32, #tpu.memory_space<vmem>>
    %dma_wait3A_407 = arith.constant 0 : i32
    %dma_wait3A_408 = tpu.memref_slice %arg2[%add3A_395, %dma_wait3A_407] : memref<8192x1024xf32, #tpu.memory_space<hbm>> -> memref<32x1024xf32, #tpu.memory_space<hbm>>
    tpu.wait_dma2 semaphore(%arg5 : memref<!tpu.dma_semaphore, #tpu.memory_space<semaphore_mem>>) src(%dma_wait3A_408 : memref<32x1024xf32, #tpu.memory_space<hbm>>) dst(%dma_wait3A_406 : memref<32x1024xf32, #tpu.memory_space<vmem>>)
    %add3A_409 = arith.constant 160 : i32
    %add3A_410 = arith.addi %add3A_35, %add3A_409 : i32
    %dma_wait3A_411 = arith.constant 1 : i32
    %dma_wait3A_412 = arith.constant 0 : i32
    %dma_wait3A_413 = arith.constant 0 : i32
    %dma_wait3A_414 = tpu.memref_slice %arg4[%dma_wait3A_411, %dma_wait3A_412, %dma_wait3A_413] : memref<2x32x1024xf32, #tpu.memory_space<vmem>> -> memref<1x32x1024xf32, #tpu.memory_space<vmem>>
    %dma_wait3A_415 = tpu.memref_squeeze %dma_wait3A_414 : memref<1x32x1024xf32, #tpu.memory_space<vmem>> -> memref<32x1024xf32, #tpu.memory_space<vmem>>
    %dma_wait3A_416 = arith.constant 0 : i32
    %dma_wait3A_417 = tpu.memref_slice %arg3[%add3A_410, %dma_wait3A_416] : memref<16384x1024xf32, #tpu.memory_space<hbm>> -> memref<32x1024xf32, #tpu.memory_space<hbm>>
    %dma_wait3A_418 = arith.constant 0 : i32
    %dma_wait3A_419 = tpu.memref_slice %arg3[%add3A_410, %dma_wait3A_418] : memref<16384x1024xf32, #tpu.memory_space<hbm>> -> memref<32x1024xf32, #tpu.memory_space<hbm>>
    %dma_wait3A_420 = arith.constant 0 : i32
    %dma_wait3A_421 = arith.constant 0 : i32
    %dma_wait3A_422 = tpu.memref_slice %arg4[%dma_wait3A_411, %dma_wait3A_420, %dma_wait3A_421] : memref<2x32x1024xf32, #tpu.memory_space<vmem>> -> memref<1x32x1024xf32, #tpu.memory_space<vmem>>
    %dma_wait3A_423 = tpu.memref_squeeze %dma_wait3A_422 : memref<1x32x1024xf32, #tpu.memory_space<vmem>> -> memref<32x1024xf32, #tpu.memory_space<vmem>>
    tpu.wait_dma2 semaphore(%arg6 : memref<!tpu.dma_semaphore, #tpu.memory_space<semaphore_mem>>) src(%dma_wait3A_423 : memref<32x1024xf32, #tpu.memory_space<vmem>>) dst(%dma_wait3A_419 : memref<32x1024xf32, #tpu.memory_space<hbm>>)
    %add3A_424 = arith.constant 224 : i32
    %add3A_425 = arith.addi %mul3A_32, %add3A_424 : i32
    %dma_start3A_426 = arith.constant 1 : i32
    %dma_start3A_427 = arith.constant 0 : i32
    %dma_start3A_428 = arith.constant 0 : i32
    %dma_start3A_429 = tpu.memref_slice %arg4[%dma_start3A_426, %dma_start3A_427, %dma_start3A_428] : memref<2x32x1024xf32, #tpu.memory_space<vmem>> -> memref<1x32x1024xf32, #tpu.memory_space<vmem>>
    %dma_start3A_430 = tpu.memref_squeeze %dma_start3A_429 : memref<1x32x1024xf32, #tpu.memory_space<vmem>> -> memref<32x1024xf32, #tpu.memory_space<vmem>>
    %dma_start3A_431 = arith.constant 0 : i32
    %dma_start3A_432 = tpu.memref_slice %arg2[%add3A_425, %dma_start3A_431] : memref<8192x1024xf32, #tpu.memory_space<hbm>> -> memref<32x1024xf32, #tpu.memory_space<hbm>>
    %dma_start3A_433 = arith.constant 0 : i32
    %dma_start3A_434 = arith.constant 0 : i32
    %dma_start3A_435 = tpu.memref_slice %arg4[%dma_start3A_426, %dma_start3A_433, %dma_start3A_434] : memref<2x32x1024xf32, #tpu.memory_space<vmem>> -> memref<1x32x1024xf32, #tpu.memory_space<vmem>>
    %dma_start3A_436 = tpu.memref_squeeze %dma_start3A_435 : memref<1x32x1024xf32, #tpu.memory_space<vmem>> -> memref<32x1024xf32, #tpu.memory_space<vmem>>
    %dma_start3A_437 = arith.constant 0 : i32
    %dma_start3A_438 = tpu.memref_slice %arg2[%add3A_425, %dma_start3A_437] : memref<8192x1024xf32, #tpu.memory_space<hbm>> -> memref<32x1024xf32, #tpu.memory_space<hbm>>
    tpu.enqueue_dma source(%dma_start3A_438 : memref<32x1024xf32, #tpu.memory_space<hbm>>) target(%dma_start3A_436 : memref<32x1024xf32, #tpu.memory_space<vmem>>) target_semaphore(%arg5 : memref<!tpu.dma_semaphore, #tpu.memory_space<semaphore_mem>>)
    %add3A_439 = arith.constant 192 : i32
    %add3A_440 = arith.addi %add3A_35, %add3A_439 : i32
    %dma_start3A_441 = arith.constant 0 : i32
    %dma_start3A_442 = arith.constant 0 : i32
    %dma_start3A_443 = arith.constant 0 : i32
    %dma_start3A_444 = tpu.memref_slice %arg4[%dma_start3A_441, %dma_start3A_442, %dma_start3A_443] : memref<2x32x1024xf32, #tpu.memory_space<vmem>> -> memref<1x32x1024xf32, #tpu.memory_space<vmem>>
    %dma_start3A_445 = tpu.memref_squeeze %dma_start3A_444 : memref<1x32x1024xf32, #tpu.memory_space<vmem>> -> memref<32x1024xf32, #tpu.memory_space<vmem>>
    %dma_start3A_446 = arith.constant 0 : i32
    %dma_start3A_447 = tpu.memref_slice %arg3[%add3A_440, %dma_start3A_446] : memref<16384x1024xf32, #tpu.memory_space<hbm>> -> memref<32x1024xf32, #tpu.memory_space<hbm>>
    %dma_start3A_448 = arith.constant 0 : i32
    %dma_start3A_449 = tpu.memref_slice %arg3[%add3A_440, %dma_start3A_448] : memref<16384x1024xf32, #tpu.memory_space<hbm>> -> memref<32x1024xf32, #tpu.memory_space<hbm>>
    %dma_start3A_450 = arith.constant 0 : i32
    %dma_start3A_451 = arith.constant 0 : i32
    %dma_start3A_452 = tpu.memref_slice %arg4[%dma_start3A_441, %dma_start3A_450, %dma_start3A_451] : memref<2x32x1024xf32, #tpu.memory_space<vmem>> -> memref<1x32x1024xf32, #tpu.memory_space<vmem>>
    %dma_start3A_453 = tpu.memref_squeeze %dma_start3A_452 : memref<1x32x1024xf32, #tpu.memory_space<vmem>> -> memref<32x1024xf32, #tpu.memory_space<vmem>>
    tpu.enqueue_dma source(%dma_start3A_453 : memref<32x1024xf32, #tpu.memory_space<vmem>>) target(%dma_start3A_449 : memref<32x1024xf32, #tpu.memory_space<hbm>>) target_semaphore(%arg6 : memref<!tpu.dma_semaphore, #tpu.memory_space<semaphore_mem>>)
    %add3A_454 = arith.constant 224 : i32
    %add3A_455 = arith.addi %mul3A_32, %add3A_454 : i32
    %dma_wait3A_456 = arith.constant 1 : i32
    %dma_wait3A_457 = arith.constant 0 : i32
    %dma_wait3A_458 = arith.constant 0 : i32
    %dma_wait3A_459 = tpu.memref_slice %arg4[%dma_wait3A_456, %dma_wait3A_457, %dma_wait3A_458] : memref<2x32x1024xf32, #tpu.memory_space<vmem>> -> memref<1x32x1024xf32, #tpu.memory_space<vmem>>
    %dma_wait3A_460 = tpu.memref_squeeze %dma_wait3A_459 : memref<1x32x1024xf32, #tpu.memory_space<vmem>> -> memref<32x1024xf32, #tpu.memory_space<vmem>>
    %dma_wait3A_461 = arith.constant 0 : i32
    %dma_wait3A_462 = tpu.memref_slice %arg2[%add3A_455, %dma_wait3A_461] : memref<8192x1024xf32, #tpu.memory_space<hbm>> -> memref<32x1024xf32, #tpu.memory_space<hbm>>
    %dma_wait3A_463 = arith.constant 0 : i32
    %dma_wait3A_464 = arith.constant 0 : i32
    %dma_wait3A_465 = tpu.memref_slice %arg4[%dma_wait3A_456, %dma_wait3A_463, %dma_wait3A_464] : memref<2x32x1024xf32, #tpu.memory_space<vmem>> -> memref<1x32x1024xf32, #tpu.memory_space<vmem>>
    %dma_wait3A_466 = tpu.memref_squeeze %dma_wait3A_465 : memref<1x32x1024xf32, #tpu.memory_space<vmem>> -> memref<32x1024xf32, #tpu.memory_space<vmem>>
    %dma_wait3A_467 = arith.constant 0 : i32
    %dma_wait3A_468 = tpu.memref_slice %arg2[%add3A_455, %dma_wait3A_467] : memref<8192x1024xf32, #tpu.memory_space<hbm>> -> memref<32x1024xf32, #tpu.memory_space<hbm>>
    tpu.wait_dma2 semaphore(%arg5 : memref<!tpu.dma_semaphore, #tpu.memory_space<semaphore_mem>>) src(%dma_wait3A_468 : memref<32x1024xf32, #tpu.memory_space<hbm>>) dst(%dma_wait3A_466 : memref<32x1024xf32, #tpu.memory_space<vmem>>)
    %add3A_469 = arith.constant 192 : i32
    %add3A_470 = arith.addi %add3A_35, %add3A_469 : i32
    %dma_wait3A_471 = arith.constant 0 : i32
    %dma_wait3A_472 = arith.constant 0 : i32
    %dma_wait3A_473 = arith.constant 0 : i32
    %dma_wait3A_474 = tpu.memref_slice %arg4[%dma_wait3A_471, %dma_wait3A_472, %dma_wait3A_473] : memref<2x32x1024xf32, #tpu.memory_space<vmem>> -> memref<1x32x1024xf32, #tpu.memory_space<vmem>>
    %dma_wait3A_475 = tpu.memref_squeeze %dma_wait3A_474 : memref<1x32x1024xf32, #tpu.memory_space<vmem>> -> memref<32x1024xf32, #tpu.memory_space<vmem>>
    %dma_wait3A_476 = arith.constant 0 : i32
    %dma_wait3A_477 = tpu.memref_slice %arg3[%add3A_470, %dma_wait3A_476] : memref<16384x1024xf32, #tpu.memory_space<hbm>> -> memref<32x1024xf32, #tpu.memory_space<hbm>>
    %dma_wait3A_478 = arith.constant 0 : i32
    %dma_wait3A_479 = tpu.memref_slice %arg3[%add3A_470, %dma_wait3A_478] : memref<16384x1024xf32, #tpu.memory_space<hbm>> -> memref<32x1024xf32, #tpu.memory_space<hbm>>
    %dma_wait3A_480 = arith.constant 0 : i32
    %dma_wait3A_481 = arith.constant 0 : i32
    %dma_wait3A_482 = tpu.memref_slice %arg4[%dma_wait3A_471, %dma_wait3A_480, %dma_wait3A_481] : memref<2x32x1024xf32, #tpu.memory_space<vmem>> -> memref<1x32x1024xf32, #tpu.memory_space<vmem>>
    %dma_wait3A_483 = tpu.memref_squeeze %dma_wait3A_482 : memref<1x32x1024xf32, #tpu.memory_space<vmem>> -> memref<32x1024xf32, #tpu.memory_space<vmem>>
    tpu.wait_dma2 semaphore(%arg6 : memref<!tpu.dma_semaphore, #tpu.memory_space<semaphore_mem>>) src(%dma_wait3A_483 : memref<32x1024xf32, #tpu.memory_space<vmem>>) dst(%dma_wait3A_479 : memref<32x1024xf32, #tpu.memory_space<hbm>>)
    %add3A_484 = arith.constant 256 : i32
    %add3A_485 = arith.addi %mul3A_32, %add3A_484 : i32
    %dma_start3A_486 = arith.constant 0 : i32
    %dma_start3A_487 = arith.constant 0 : i32
    %dma_start3A_488 = arith.constant 0 : i32
    %dma_start3A_489 = tpu.memref_slice %arg4[%dma_start3A_486, %dma_start3A_487, %dma_start3A_488] : memref<2x32x1024xf32, #tpu.memory_space<vmem>> -> memref<1x32x1024xf32, #tpu.memory_space<vmem>>
    %dma_start3A_490 = tpu.memref_squeeze %dma_start3A_489 : memref<1x32x1024xf32, #tpu.memory_space<vmem>> -> memref<32x1024xf32, #tpu.memory_space<vmem>>
    %dma_start3A_491 = arith.constant 0 : i32
    %dma_start3A_492 = tpu.memref_slice %arg2[%add3A_485, %dma_start3A_491] : memref<8192x1024xf32, #tpu.memory_space<hbm>> -> memref<32x1024xf32, #tpu.memory_space<hbm>>
    %dma_start3A_493 = arith.constant 0 : i32
    %dma_start3A_494 = arith.constant 0 : i32
    %dma_start3A_495 = tpu.memref_slice %arg4[%dma_start3A_486, %dma_start3A_493, %dma_start3A_494] : memref<2x32x1024xf32, #tpu.memory_space<vmem>> -> memref<1x32x1024xf32, #tpu.memory_space<vmem>>
    %dma_start3A_496 = tpu.memref_squeeze %dma_start3A_495 : memref<1x32x1024xf32, #tpu.memory_space<vmem>> -> memref<32x1024xf32, #tpu.memory_space<vmem>>
    %dma_start3A_497 = arith.constant 0 : i32
    %dma_start3A_498 = tpu.memref_slice %arg2[%add3A_485, %dma_start3A_497] : memref<8192x1024xf32, #tpu.memory_space<hbm>> -> memref<32x1024xf32, #tpu.memory_space<hbm>>
    tpu.enqueue_dma source(%dma_start3A_498 : memref<32x1024xf32, #tpu.memory_space<hbm>>) target(%dma_start3A_496 : memref<32x1024xf32, #tpu.memory_space<vmem>>) target_semaphore(%arg5 : memref<!tpu.dma_semaphore, #tpu.memory_space<semaphore_mem>>)
    %add3A_499 = arith.constant 224 : i32
    %add3A_500 = arith.addi %add3A_35, %add3A_499 : i32
    %dma_start3A_501 = arith.constant 1 : i32
    %dma_start3A_502 = arith.constant 0 : i32
    %dma_start3A_503 = arith.constant 0 : i32
    %dma_start3A_504 = tpu.memref_slice %arg4[%dma_start3A_501, %dma_start3A_502, %dma_start3A_503] : memref<2x32x1024xf32, #tpu.memory_space<vmem>> -> memref<1x32x1024xf32, #tpu.memory_space<vmem>>
    %dma_start3A_505 = tpu.memref_squeeze %dma_start3A_504 : memref<1x32x1024xf32, #tpu.memory_space<vmem>> -> memref<32x1024xf32, #tpu.memory_space<vmem>>
    %dma_start3A_506 = arith.constant 0 : i32
    %dma_start3A_507 = tpu.memref_slice %arg3[%add3A_500, %dma_start3A_506] : memref<16384x1024xf32, #tpu.memory_space<hbm>> -> memref<32x1024xf32, #tpu.memory_space<hbm>>
    %dma_start3A_508 = arith.constant 0 : i32
    %dma_start3A_509 = tpu.memref_slice %arg3[%add3A_500, %dma_start3A_508] : memref<16384x1024xf32, #tpu.memory_space<hbm>> -> memref<32x1024xf32, #tpu.memory_space<hbm>>
    %dma_start3A_510 = arith.constant 0 : i32
    %dma_start3A_511 = arith.constant 0 : i32
    %dma_start3A_512 = tpu.memref_slice %arg4[%dma_start3A_501, %dma_start3A_510, %dma_start3A_511] : memref<2x32x1024xf32, #tpu.memory_space<vmem>> -> memref<1x32x1024xf32, #tpu.memory_space<vmem>>
    %dma_start3A_513 = tpu.memref_squeeze %dma_start3A_512 : memref<1x32x1024xf32, #tpu.memory_space<vmem>> -> memref<32x1024xf32, #tpu.memory_space<vmem>>
    tpu.enqueue_dma source(%dma_start3A_513 : memref<32x1024xf32, #tpu.memory_space<vmem>>) target(%dma_start3A_509 : memref<32x1024xf32, #tpu.memory_space<hbm>>) target_semaphore(%arg6 : memref<!tpu.dma_semaphore, #tpu.memory_space<semaphore_mem>>)
    %add3A_514 = arith.constant 256 : i32
    %add3A_515 = arith.addi %mul3A_32, %add3A_514 : i32
    %dma_wait3A_516 = arith.constant 0 : i32
    %dma_wait3A_517 = arith.constant 0 : i32
    %dma_wait3A_518 = arith.constant 0 : i32
    %dma_wait3A_519 = tpu.memref_slice %arg4[%dma_wait3A_516, %dma_wait3A_517, %dma_wait3A_518] : memref<2x32x1024xf32, #tpu.memory_space<vmem>> -> memref<1x32x1024xf32, #tpu.memory_space<vmem>>
    %dma_wait3A_520 = tpu.memref_squeeze %dma_wait3A_519 : memref<1x32x1024xf32, #tpu.memory_space<vmem>> -> memref<32x1024xf32, #tpu.memory_space<vmem>>
    %dma_wait3A_521 = arith.constant 0 : i32
    %dma_wait3A_522 = tpu.memref_slice %arg2[%add3A_515, %dma_wait3A_521] : memref<8192x1024xf32, #tpu.memory_space<hbm>> -> memref<32x1024xf32, #tpu.memory_space<hbm>>
    %dma_wait3A_523 = arith.constant 0 : i32
    %dma_wait3A_524 = arith.constant 0 : i32
    %dma_wait3A_525 = tpu.memref_slice %arg4[%dma_wait3A_516, %dma_wait3A_523, %dma_wait3A_524] : memref<2x32x1024xf32, #tpu.memory_space<vmem>> -> memref<1x32x1024xf32, #tpu.memory_space<vmem>>
    %dma_wait3A_526 = tpu.memref_squeeze %dma_wait3A_525 : memref<1x32x1024xf32, #tpu.memory_space<vmem>> -> memref<32x1024xf32, #tpu.memory_space<vmem>>
    %dma_wait3A_527 = arith.constant 0 : i32
    %dma_wait3A_528 = tpu.memref_slice %arg2[%add3A_515, %dma_wait3A_527] : memref<8192x1024xf32, #tpu.memory_space<hbm>> -> memref<32x1024xf32, #tpu.memory_space<hbm>>
    tpu.wait_dma2 semaphore(%arg5 : memref<!tpu.dma_semaphore, #tpu.memory_space<semaphore_mem>>) src(%dma_wait3A_528 : memref<32x1024xf32, #tpu.memory_space<hbm>>) dst(%dma_wait3A_526 : memref<32x1024xf32, #tpu.memory_space<vmem>>)
    %add3A_529 = arith.constant 224 : i32
    %add3A_530 = arith.addi %add3A_35, %add3A_529 : i32
    %dma_wait3A_531 = arith.constant 1 : i32
    %dma_wait3A_532 = arith.constant 0 : i32
    %dma_wait3A_533 = arith.constant 0 : i32
    %dma_wait3A_534 = tpu.memref_slice %arg4[%dma_wait3A_531, %dma_wait3A_532, %dma_wait3A_533] : memref<2x32x1024xf32, #tpu.memory_space<vmem>> -> memref<1x32x1024xf32, #tpu.memory_space<vmem>>
    %dma_wait3A_535 = tpu.memref_squeeze %dma_wait3A_534 : memref<1x32x1024xf32, #tpu.memory_space<vmem>> -> memref<32x1024xf32, #tpu.memory_space<vmem>>
    %dma_wait3A_536 = arith.constant 0 : i32
    %dma_wait3A_537 = tpu.memref_slice %arg3[%add3A_530, %dma_wait3A_536] : memref<16384x1024xf32, #tpu.memory_space<hbm>> -> memref<32x1024xf32, #tpu.memory_space<hbm>>
    %dma_wait3A_538 = arith.constant 0 : i32
    %dma_wait3A_539 = tpu.memref_slice %arg3[%add3A_530, %dma_wait3A_538] : memref<16384x1024xf32, #tpu.memory_space<hbm>> -> memref<32x1024xf32, #tpu.memory_space<hbm>>
    %dma_wait3A_540 = arith.constant 0 : i32
    %dma_wait3A_541 = arith.constant 0 : i32
    %dma_wait3A_542 = tpu.memref_slice %arg4[%dma_wait3A_531, %dma_wait3A_540, %dma_wait3A_541] : memref<2x32x1024xf32, #tpu.memory_space<vmem>> -> memref<1x32x1024xf32, #tpu.memory_space<vmem>>
    %dma_wait3A_543 = tpu.memref_squeeze %dma_wait3A_542 : memref<1x32x1024xf32, #tpu.memory_space<vmem>> -> memref<32x1024xf32, #tpu.memory_space<vmem>>
    tpu.wait_dma2 semaphore(%arg6 : memref<!tpu.dma_semaphore, #tpu.memory_space<semaphore_mem>>) src(%dma_wait3A_543 : memref<32x1024xf32, #tpu.memory_space<vmem>>) dst(%dma_wait3A_539 : memref<32x1024xf32, #tpu.memory_space<hbm>>)
    %add3A_544 = arith.constant 288 : i32
    %add3A_545 = arith.addi %mul3A_32, %add3A_544 : i32
    %dma_start3A_546 = arith.constant 1 : i32
    %dma_start3A_547 = arith.constant 0 : i32
    %dma_start3A_548 = arith.constant 0 : i32
    %dma_start3A_549 = tpu.memref_slice %arg4[%dma_start3A_546, %dma_start3A_547, %dma_start3A_548] : memref<2x32x1024xf32, #tpu.memory_space<vmem>> -> memref<1x32x1024xf32, #tpu.memory_space<vmem>>
    %dma_start3A_550 = tpu.memref_squeeze %dma_start3A_549 : memref<1x32x1024xf32, #tpu.memory_space<vmem>> -> memref<32x1024xf32, #tpu.memory_space<vmem>>
    %dma_start3A_551 = arith.constant 0 : i32
    %dma_start3A_552 = tpu.memref_slice %arg2[%add3A_545, %dma_start3A_551] : memref<8192x1024xf32, #tpu.memory_space<hbm>> -> memref<32x1024xf32, #tpu.memory_space<hbm>>
    %dma_start3A_553 = arith.constant 0 : i32
    %dma_start3A_554 = arith.constant 0 : i32
    %dma_start3A_555 = tpu.memref_slice %arg4[%dma_start3A_546, %dma_start3A_553, %dma_start3A_554] : memref<2x32x1024xf32, #tpu.memory_space<vmem>> -> memref<1x32x1024xf32, #tpu.memory_space<vmem>>
    %dma_start3A_556 = tpu.memref_squeeze %dma_start3A_555 : memref<1x32x1024xf32, #tpu.memory_space<vmem>> -> memref<32x1024xf32, #tpu.memory_space<vmem>>
    %dma_start3A_557 = arith.constant 0 : i32
    %dma_start3A_558 = tpu.memref_slice %arg2[%add3A_545, %dma_start3A_557] : memref<8192x1024xf32, #tpu.memory_space<hbm>> -> memref<32x1024xf32, #tpu.memory_space<hbm>>
    tpu.enqueue_dma source(%dma_start3A_558 : memref<32x1024xf32, #tpu.memory_space<hbm>>) target(%dma_start3A_556 : memref<32x1024xf32, #tpu.memory_space<vmem>>) target_semaphore(%arg5 : memref<!tpu.dma_semaphore, #tpu.memory_space<semaphore_mem>>)
    %add3A_559 = arith.constant 256 : i32
    %add3A_560 = arith.addi %add3A_35, %add3A_559 : i32
    %dma_start3A_561 = arith.constant 0 : i32
    %dma_start3A_562 = arith.constant 0 : i32
    %dma_start3A_563 = arith.constant 0 : i32
    %dma_start3A_564 = tpu.memref_slice %arg4[%dma_start3A_561, %dma_start3A_562, %dma_start3A_563] : memref<2x32x1024xf32, #tpu.memory_space<vmem>> -> memref<1x32x1024xf32, #tpu.memory_space<vmem>>
    %dma_start3A_565 = tpu.memref_squeeze %dma_start3A_564 : memref<1x32x1024xf32, #tpu.memory_space<vmem>> -> memref<32x1024xf32, #tpu.memory_space<vmem>>
    %dma_start3A_566 = arith.constant 0 : i32
    %dma_start3A_567 = tpu.memref_slice %arg3[%add3A_560, %dma_start3A_566] : memref<16384x1024xf32, #tpu.memory_space<hbm>> -> memref<32x1024xf32, #tpu.memory_space<hbm>>
    %dma_start3A_568 = arith.constant 0 : i32
    %dma_start3A_569 = tpu.memref_slice %arg3[%add3A_560, %dma_start3A_568] : memref<16384x1024xf32, #tpu.memory_space<hbm>> -> memref<32x1024xf32, #tpu.memory_space<hbm>>
    %dma_start3A_570 = arith.constant 0 : i32
    %dma_start3A_571 = arith.constant 0 : i32
    %dma_start3A_572 = tpu.memref_slice %arg4[%dma_start3A_561, %dma_start3A_570, %dma_start3A_571] : memref<2x32x1024xf32, #tpu.memory_space<vmem>> -> memref<1x32x1024xf32, #tpu.memory_space<vmem>>
    %dma_start3A_573 = tpu.memref_squeeze %dma_start3A_572 : memref<1x32x1024xf32, #tpu.memory_space<vmem>> -> memref<32x1024xf32, #tpu.memory_space<vmem>>
    tpu.enqueue_dma source(%dma_start3A_573 : memref<32x1024xf32, #tpu.memory_space<vmem>>) target(%dma_start3A_569 : memref<32x1024xf32, #tpu.memory_space<hbm>>) target_semaphore(%arg6 : memref<!tpu.dma_semaphore, #tpu.memory_space<semaphore_mem>>)
    %add3A_574 = arith.constant 288 : i32
    %add3A_575 = arith.addi %mul3A_32, %add3A_574 : i32
    %dma_wait3A_576 = arith.constant 1 : i32
    %dma_wait3A_577 = arith.constant 0 : i32
    %dma_wait3A_578 = arith.constant 0 : i32
    %dma_wait3A_579 = tpu.memref_slice %arg4[%dma_wait3A_576, %dma_wait3A_577, %dma_wait3A_578] : memref<2x32x1024xf32, #tpu.memory_space<vmem>> -> memref<1x32x1024xf32, #tpu.memory_space<vmem>>
    %dma_wait3A_580 = tpu.memref_squeeze %dma_wait3A_579 : memref<1x32x1024xf32, #tpu.memory_space<vmem>> -> memref<32x1024xf32, #tpu.memory_space<vmem>>
    %dma_wait3A_581 = arith.constant 0 : i32
    %dma_wait3A_582 = tpu.memref_slice %arg2[%add3A_575, %dma_wait3A_581] : memref<8192x1024xf32, #tpu.memory_space<hbm>> -> memref<32x1024xf32, #tpu.memory_space<hbm>>
    %dma_wait3A_583 = arith.constant 0 : i32
    %dma_wait3A_584 = arith.constant 0 : i32
    %dma_wait3A_585 = tpu.memref_slice %arg4[%dma_wait3A_576, %dma_wait3A_583, %dma_wait3A_584] : memref<2x32x1024xf32, #tpu.memory_space<vmem>> -> memref<1x32x1024xf32, #tpu.memory_space<vmem>>
    %dma_wait3A_586 = tpu.memref_squeeze %dma_wait3A_585 : memref<1x32x1024xf32, #tpu.memory_space<vmem>> -> memref<32x1024xf32, #tpu.memory_space<vmem>>
    %dma_wait3A_587 = arith.constant 0 : i32
    %dma_wait3A_588 = tpu.memref_slice %arg2[%add3A_575, %dma_wait3A_587] : memref<8192x1024xf32, #tpu.memory_space<hbm>> -> memref<32x1024xf32, #tpu.memory_space<hbm>>
    tpu.wait_dma2 semaphore(%arg5 : memref<!tpu.dma_semaphore, #tpu.memory_space<semaphore_mem>>) src(%dma_wait3A_588 : memref<32x1024xf32, #tpu.memory_space<hbm>>) dst(%dma_wait3A_586 : memref<32x1024xf32, #tpu.memory_space<vmem>>)
    %add3A_589 = arith.constant 256 : i32
    %add3A_590 = arith.addi %add3A_35, %add3A_589 : i32
    %dma_wait3A_591 = arith.constant 0 : i32
    %dma_wait3A_592 = arith.constant 0 : i32
    %dma_wait3A_593 = arith.constant 0 : i32
    %dma_wait3A_594 = tpu.memref_slice %arg4[%dma_wait3A_591, %dma_wait3A_592, %dma_wait3A_593] : memref<2x32x1024xf32, #tpu.memory_space<vmem>> -> memref<1x32x1024xf32, #tpu.memory_space<vmem>>
    %dma_wait3A_595 = tpu.memref_squeeze %dma_wait3A_594 : memref<1x32x1024xf32, #tpu.memory_space<vmem>> -> memref<32x1024xf32, #tpu.memory_space<vmem>>
    %dma_wait3A_596 = arith.constant 0 : i32
    %dma_wait3A_597 = tpu.memref_slice %arg3[%add3A_590, %dma_wait3A_596] : memref<16384x1024xf32, #tpu.memory_space<hbm>> -> memref<32x1024xf32, #tpu.memory_space<hbm>>
    %dma_wait3A_598 = arith.constant 0 : i32
    %dma_wait3A_599 = tpu.memref_slice %arg3[%add3A_590, %dma_wait3A_598] : memref<16384x1024xf32, #tpu.memory_space<hbm>> -> memref<32x1024xf32, #tpu.memory_space<hbm>>
    %dma_wait3A_600 = arith.constant 0 : i32
    %dma_wait3A_601 = arith.constant 0 : i32
    %dma_wait3A_602 = tpu.memref_slice %arg4[%dma_wait3A_591, %dma_wait3A_600, %dma_wait3A_601] : memref<2x32x1024xf32, #tpu.memory_space<vmem>> -> memref<1x32x1024xf32, #tpu.memory_space<vmem>>
    %dma_wait3A_603 = tpu.memref_squeeze %dma_wait3A_602 : memref<1x32x1024xf32, #tpu.memory_space<vmem>> -> memref<32x1024xf32, #tpu.memory_space<vmem>>
    tpu.wait_dma2 semaphore(%arg6 : memref<!tpu.dma_semaphore, #tpu.memory_space<semaphore_mem>>) src(%dma_wait3A_603 : memref<32x1024xf32, #tpu.memory_space<vmem>>) dst(%dma_wait3A_599 : memref<32x1024xf32, #tpu.memory_space<hbm>>)
    %add3A_604 = arith.constant 320 : i32
    %add3A_605 = arith.addi %mul3A_32, %add3A_604 : i32
    %dma_start3A_606 = arith.constant 0 : i32
    %dma_start3A_607 = arith.constant 0 : i32
    %dma_start3A_608 = arith.constant 0 : i32
    %dma_start3A_609 = tpu.memref_slice %arg4[%dma_start3A_606, %dma_start3A_607, %dma_start3A_608] : memref<2x32x1024xf32, #tpu.memory_space<vmem>> -> memref<1x32x1024xf32, #tpu.memory_space<vmem>>
    %dma_start3A_610 = tpu.memref_squeeze %dma_start3A_609 : memref<1x32x1024xf32, #tpu.memory_space<vmem>> -> memref<32x1024xf32, #tpu.memory_space<vmem>>
    %dma_start3A_611 = arith.constant 0 : i32
    %dma_start3A_612 = tpu.memref_slice %arg2[%add3A_605, %dma_start3A_611] : memref<8192x1024xf32, #tpu.memory_space<hbm>> -> memref<32x1024xf32, #tpu.memory_space<hbm>>
    %dma_start3A_613 = arith.constant 0 : i32
    %dma_start3A_614 = arith.constant 0 : i32
    %dma_start3A_615 = tpu.memref_slice %arg4[%dma_start3A_606, %dma_start3A_613, %dma_start3A_614] : memref<2x32x1024xf32, #tpu.memory_space<vmem>> -> memref<1x32x1024xf32, #tpu.memory_space<vmem>>
    %dma_start3A_616 = tpu.memref_squeeze %dma_start3A_615 : memref<1x32x1024xf32, #tpu.memory_space<vmem>> -> memref<32x1024xf32, #tpu.memory_space<vmem>>
    %dma_start3A_617 = arith.constant 0 : i32
    %dma_start3A_618 = tpu.memref_slice %arg2[%add3A_605, %dma_start3A_617] : memref<8192x1024xf32, #tpu.memory_space<hbm>> -> memref<32x1024xf32, #tpu.memory_space<hbm>>
    tpu.enqueue_dma source(%dma_start3A_618 : memref<32x1024xf32, #tpu.memory_space<hbm>>) target(%dma_start3A_616 : memref<32x1024xf32, #tpu.memory_space<vmem>>) target_semaphore(%arg5 : memref<!tpu.dma_semaphore, #tpu.memory_space<semaphore_mem>>)
    %add3A_619 = arith.constant 288 : i32
    %add3A_620 = arith.addi %add3A_35, %add3A_619 : i32
    %dma_start3A_621 = arith.constant 1 : i32
    %dma_start3A_622 = arith.constant 0 : i32
    %dma_start3A_623 = arith.constant 0 : i32
    %dma_start3A_624 = tpu.memref_slice %arg4[%dma_start3A_621, %dma_start3A_622, %dma_start3A_623] : memref<2x32x1024xf32, #tpu.memory_space<vmem>> -> memref<1x32x1024xf32, #tpu.memory_space<vmem>>
    %dma_start3A_625 = tpu.memref_squeeze %dma_start3A_624 : memref<1x32x1024xf32, #tpu.memory_space<vmem>> -> memref<32x1024xf32, #tpu.memory_space<vmem>>
    %dma_start3A_626 = arith.constant 0 : i32
    %dma_start3A_627 = tpu.memref_slice %arg3[%add3A_620, %dma_start3A_626] : memref<16384x1024xf32, #tpu.memory_space<hbm>> -> memref<32x1024xf32, #tpu.memory_space<hbm>>
    %dma_start3A_628 = arith.constant 0 : i32
    %dma_start3A_629 = tpu.memref_slice %arg3[%add3A_620, %dma_start3A_628] : memref<16384x1024xf32, #tpu.memory_space<hbm>> -> memref<32x1024xf32, #tpu.memory_space<hbm>>
    %dma_start3A_630 = arith.constant 0 : i32
    %dma_start3A_631 = arith.constant 0 : i32
    %dma_start3A_632 = tpu.memref_slice %arg4[%dma_start3A_621, %dma_start3A_630, %dma_start3A_631] : memref<2x32x1024xf32, #tpu.memory_space<vmem>> -> memref<1x32x1024xf32, #tpu.memory_space<vmem>>
    %dma_start3A_633 = tpu.memref_squeeze %dma_start3A_632 : memref<1x32x1024xf32, #tpu.memory_space<vmem>> -> memref<32x1024xf32, #tpu.memory_space<vmem>>
    tpu.enqueue_dma source(%dma_start3A_633 : memref<32x1024xf32, #tpu.memory_space<vmem>>) target(%dma_start3A_629 : memref<32x1024xf32, #tpu.memory_space<hbm>>) target_semaphore(%arg6 : memref<!tpu.dma_semaphore, #tpu.memory_space<semaphore_mem>>)
    %add3A_634 = arith.constant 320 : i32
    %add3A_635 = arith.addi %mul3A_32, %add3A_634 : i32
    %dma_wait3A_636 = arith.constant 0 : i32
    %dma_wait3A_637 = arith.constant 0 : i32
    %dma_wait3A_638 = arith.constant 0 : i32
    %dma_wait3A_639 = tpu.memref_slice %arg4[%dma_wait3A_636, %dma_wait3A_637, %dma_wait3A_638] : memref<2x32x1024xf32, #tpu.memory_space<vmem>> -> memref<1x32x1024xf32, #tpu.memory_space<vmem>>
    %dma_wait3A_640 = tpu.memref_squeeze %dma_wait3A_639 : memref<1x32x1024xf32, #tpu.memory_space<vmem>> -> memref<32x1024xf32, #tpu.memory_space<vmem>>
    %dma_wait3A_641 = arith.constant 0 : i32
    %dma_wait3A_642 = tpu.memref_slice %arg2[%add3A_635, %dma_wait3A_641] : memref<8192x1024xf32, #tpu.memory_space<hbm>> -> memref<32x1024xf32, #tpu.memory_space<hbm>>
    %dma_wait3A_643 = arith.constant 0 : i32
    %dma_wait3A_644 = arith.constant 0 : i32
    %dma_wait3A_645 = tpu.memref_slice %arg4[%dma_wait3A_636, %dma_wait3A_643, %dma_wait3A_644] : memref<2x32x1024xf32, #tpu.memory_space<vmem>> -> memref<1x32x1024xf32, #tpu.memory_space<vmem>>
    %dma_wait3A_646 = tpu.memref_squeeze %dma_wait3A_645 : memref<1x32x1024xf32, #tpu.memory_space<vmem>> -> memref<32x1024xf32, #tpu.memory_space<vmem>>
    %dma_wait3A_647 = arith.constant 0 : i32
    %dma_wait3A_648 = tpu.memref_slice %arg2[%add3A_635, %dma_wait3A_647] : memref<8192x1024xf32, #tpu.memory_space<hbm>> -> memref<32x1024xf32, #tpu.memory_space<hbm>>
    tpu.wait_dma2 semaphore(%arg5 : memref<!tpu.dma_semaphore, #tpu.memory_space<semaphore_mem>>) src(%dma_wait3A_648 : memref<32x1024xf32, #tpu.memory_space<hbm>>) dst(%dma_wait3A_646 : memref<32x1024xf32, #tpu.memory_space<vmem>>)
    %add3A_649 = arith.constant 288 : i32
    %add3A_650 = arith.addi %add3A_35, %add3A_649 : i32
    %dma_wait3A_651 = arith.constant 1 : i32
    %dma_wait3A_652 = arith.constant 0 : i32
    %dma_wait3A_653 = arith.constant 0 : i32
    %dma_wait3A_654 = tpu.memref_slice %arg4[%dma_wait3A_651, %dma_wait3A_652, %dma_wait3A_653] : memref<2x32x1024xf32, #tpu.memory_space<vmem>> -> memref<1x32x1024xf32, #tpu.memory_space<vmem>>
    %dma_wait3A_655 = tpu.memref_squeeze %dma_wait3A_654 : memref<1x32x1024xf32, #tpu.memory_space<vmem>> -> memref<32x1024xf32, #tpu.memory_space<vmem>>
    %dma_wait3A_656 = arith.constant 0 : i32
    %dma_wait3A_657 = tpu.memref_slice %arg3[%add3A_650, %dma_wait3A_656] : memref<16384x1024xf32, #tpu.memory_space<hbm>> -> memref<32x1024xf32, #tpu.memory_space<hbm>>
    %dma_wait3A_658 = arith.constant 0 : i32
    %dma_wait3A_659 = tpu.memref_slice %arg3[%add3A_650, %dma_wait3A_658] : memref<16384x1024xf32, #tpu.memory_space<hbm>> -> memref<32x1024xf32, #tpu.memory_space<hbm>>
    %dma_wait3A_660 = arith.constant 0 : i32
    %dma_wait3A_661 = arith.constant 0 : i32
    %dma_wait3A_662 = tpu.memref_slice %arg4[%dma_wait3A_651, %dma_wait3A_660, %dma_wait3A_661] : memref<2x32x1024xf32, #tpu.memory_space<vmem>> -> memref<1x32x1024xf32, #tpu.memory_space<vmem>>
    %dma_wait3A_663 = tpu.memref_squeeze %dma_wait3A_662 : memref<1x32x1024xf32, #tpu.memory_space<vmem>> -> memref<32x1024xf32, #tpu.memory_space<vmem>>
    tpu.wait_dma2 semaphore(%arg6 : memref<!tpu.dma_semaphore, #tpu.memory_space<semaphore_mem>>) src(%dma_wait3A_663 : memref<32x1024xf32, #tpu.memory_space<vmem>>) dst(%dma_wait3A_659 : memref<32x1024xf32, #tpu.memory_space<hbm>>)
    %add3A_664 = arith.constant 352 : i32
    %add3A_665 = arith.addi %mul3A_32, %add3A_664 : i32
    %dma_start3A_666 = arith.constant 1 : i32
    %dma_start3A_667 = arith.constant 0 : i32
    %dma_start3A_668 = arith.constant 0 : i32
    %dma_start3A_669 = tpu.memref_slice %arg4[%dma_start3A_666, %dma_start3A_667, %dma_start3A_668] : memref<2x32x1024xf32, #tpu.memory_space<vmem>> -> memref<1x32x1024xf32, #tpu.memory_space<vmem>>
    %dma_start3A_670 = tpu.memref_squeeze %dma_start3A_669 : memref<1x32x1024xf32, #tpu.memory_space<vmem>> -> memref<32x1024xf32, #tpu.memory_space<vmem>>
    %dma_start3A_671 = arith.constant 0 : i32
    %dma_start3A_672 = tpu.memref_slice %arg2[%add3A_665, %dma_start3A_671] : memref<8192x1024xf32, #tpu.memory_space<hbm>> -> memref<32x1024xf32, #tpu.memory_space<hbm>>
    %dma_start3A_673 = arith.constant 0 : i32
    %dma_start3A_674 = arith.constant 0 : i32
    %dma_start3A_675 = tpu.memref_slice %arg4[%dma_start3A_666, %dma_start3A_673, %dma_start3A_674] : memref<2x32x1024xf32, #tpu.memory_space<vmem>> -> memref<1x32x1024xf32, #tpu.memory_space<vmem>>
    %dma_start3A_676 = tpu.memref_squeeze %dma_start3A_675 : memref<1x32x1024xf32, #tpu.memory_space<vmem>> -> memref<32x1024xf32, #tpu.memory_space<vmem>>
    %dma_start3A_677 = arith.constant 0 : i32
    %dma_start3A_678 = tpu.memref_slice %arg2[%add3A_665, %dma_start3A_677] : memref<8192x1024xf32, #tpu.memory_space<hbm>> -> memref<32x1024xf32, #tpu.memory_space<hbm>>
    tpu.enqueue_dma source(%dma_start3A_678 : memref<32x1024xf32, #tpu.memory_space<hbm>>) target(%dma_start3A_676 : memref<32x1024xf32, #tpu.memory_space<vmem>>) target_semaphore(%arg5 : memref<!tpu.dma_semaphore, #tpu.memory_space<semaphore_mem>>)
    %add3A_679 = arith.constant 320 : i32
    %add3A_680 = arith.addi %add3A_35, %add3A_679 : i32
    %dma_start3A_681 = arith.constant 0 : i32
    %dma_start3A_682 = arith.constant 0 : i32
    %dma_start3A_683 = arith.constant 0 : i32
    %dma_start3A_684 = tpu.memref_slice %arg4[%dma_start3A_681, %dma_start3A_682, %dma_start3A_683] : memref<2x32x1024xf32, #tpu.memory_space<vmem>> -> memref<1x32x1024xf32, #tpu.memory_space<vmem>>
    %dma_start3A_685 = tpu.memref_squeeze %dma_start3A_684 : memref<1x32x1024xf32, #tpu.memory_space<vmem>> -> memref<32x1024xf32, #tpu.memory_space<vmem>>
    %dma_start3A_686 = arith.constant 0 : i32
    %dma_start3A_687 = tpu.memref_slice %arg3[%add3A_680, %dma_start3A_686] : memref<16384x1024xf32, #tpu.memory_space<hbm>> -> memref<32x1024xf32, #tpu.memory_space<hbm>>
    %dma_start3A_688 = arith.constant 0 : i32
    %dma_start3A_689 = tpu.memref_slice %arg3[%add3A_680, %dma_start3A_688] : memref<16384x1024xf32, #tpu.memory_space<hbm>> -> memref<32x1024xf32, #tpu.memory_space<hbm>>
    %dma_start3A_690 = arith.constant 0 : i32
    %dma_start3A_691 = arith.constant 0 : i32
    %dma_start3A_692 = tpu.memref_slice %arg4[%dma_start3A_681, %dma_start3A_690, %dma_start3A_691] : memref<2x32x1024xf32, #tpu.memory_space<vmem>> -> memref<1x32x1024xf32, #tpu.memory_space<vmem>>
    %dma_start3A_693 = tpu.memref_squeeze %dma_start3A_692 : memref<1x32x1024xf32, #tpu.memory_space<vmem>> -> memref<32x1024xf32, #tpu.memory_space<vmem>>
    tpu.enqueue_dma source(%dma_start3A_693 : memref<32x1024xf32, #tpu.memory_space<vmem>>) target(%dma_start3A_689 : memref<32x1024xf32, #tpu.memory_space<hbm>>) target_semaphore(%arg6 : memref<!tpu.dma_semaphore, #tpu.memory_space<semaphore_mem>>)
    %add3A_694 = arith.constant 352 : i32
    %add3A_695 = arith.addi %mul3A_32, %add3A_694 : i32
    %dma_wait3A_696 = arith.constant 1 : i32
    %dma_wait3A_697 = arith.constant 0 : i32
    %dma_wait3A_698 = arith.constant 0 : i32
    %dma_wait3A_699 = tpu.memref_slice %arg4[%dma_wait3A_696, %dma_wait3A_697, %dma_wait3A_698] : memref<2x32x1024xf32, #tpu.memory_space<vmem>> -> memref<1x32x1024xf32, #tpu.memory_space<vmem>>
    %dma_wait3A_700 = tpu.memref_squeeze %dma_wait3A_699 : memref<1x32x1024xf32, #tpu.memory_space<vmem>> -> memref<32x1024xf32, #tpu.memory_space<vmem>>
    %dma_wait3A_701 = arith.constant 0 : i32
    %dma_wait3A_702 = tpu.memref_slice %arg2[%add3A_695, %dma_wait3A_701] : memref<8192x1024xf32, #tpu.memory_space<hbm>> -> memref<32x1024xf32, #tpu.memory_space<hbm>>
    %dma_wait3A_703 = arith.constant 0 : i32
    %dma_wait3A_704 = arith.constant 0 : i32
    %dma_wait3A_705 = tpu.memref_slice %arg4[%dma_wait3A_696, %dma_wait3A_703, %dma_wait3A_704] : memref<2x32x1024xf32, #tpu.memory_space<vmem>> -> memref<1x32x1024xf32, #tpu.memory_space<vmem>>
    %dma_wait3A_706 = tpu.memref_squeeze %dma_wait3A_705 : memref<1x32x1024xf32, #tpu.memory_space<vmem>> -> memref<32x1024xf32, #tpu.memory_space<vmem>>
    %dma_wait3A_707 = arith.constant 0 : i32
    %dma_wait3A_708 = tpu.memref_slice %arg2[%add3A_695, %dma_wait3A_707] : memref<8192x1024xf32, #tpu.memory_space<hbm>> -> memref<32x1024xf32, #tpu.memory_space<hbm>>
    tpu.wait_dma2 semaphore(%arg5 : memref<!tpu.dma_semaphore, #tpu.memory_space<semaphore_mem>>) src(%dma_wait3A_708 : memref<32x1024xf32, #tpu.memory_space<hbm>>) dst(%dma_wait3A_706 : memref<32x1024xf32, #tpu.memory_space<vmem>>)
    %add3A_709 = arith.constant 320 : i32
    %add3A_710 = arith.addi %add3A_35, %add3A_709 : i32
    %dma_wait3A_711 = arith.constant 0 : i32
    %dma_wait3A_712 = arith.constant 0 : i32
    %dma_wait3A_713 = arith.constant 0 : i32
    %dma_wait3A_714 = tpu.memref_slice %arg4[%dma_wait3A_711, %dma_wait3A_712, %dma_wait3A_713] : memref<2x32x1024xf32, #tpu.memory_space<vmem>> -> memref<1x32x1024xf32, #tpu.memory_space<vmem>>
    %dma_wait3A_715 = tpu.memref_squeeze %dma_wait3A_714 : memref<1x32x1024xf32, #tpu.memory_space<vmem>> -> memref<32x1024xf32, #tpu.memory_space<vmem>>
    %dma_wait3A_716 = arith.constant 0 : i32
    %dma_wait3A_717 = tpu.memref_slice %arg3[%add3A_710, %dma_wait3A_716] : memref<16384x1024xf32, #tpu.memory_space<hbm>> -> memref<32x1024xf32, #tpu.memory_space<hbm>>
    %dma_wait3A_718 = arith.constant 0 : i32
    %dma_wait3A_719 = tpu.memref_slice %arg3[%add3A_710, %dma_wait3A_718] : memref<16384x1024xf32, #tpu.memory_space<hbm>> -> memref<32x1024xf32, #tpu.memory_space<hbm>>
    %dma_wait3A_720 = arith.constant 0 : i32
    %dma_wait3A_721 = arith.constant 0 : i32
    %dma_wait3A_722 = tpu.memref_slice %arg4[%dma_wait3A_711, %dma_wait3A_720, %dma_wait3A_721] : memref<2x32x1024xf32, #tpu.memory_space<vmem>> -> memref<1x32x1024xf32, #tpu.memory_space<vmem>>
    %dma_wait3A_723 = tpu.memref_squeeze %dma_wait3A_722 : memref<1x32x1024xf32, #tpu.memory_space<vmem>> -> memref<32x1024xf32, #tpu.memory_space<vmem>>
    tpu.wait_dma2 semaphore(%arg6 : memref<!tpu.dma_semaphore, #tpu.memory_space<semaphore_mem>>) src(%dma_wait3A_723 : memref<32x1024xf32, #tpu.memory_space<vmem>>) dst(%dma_wait3A_719 : memref<32x1024xf32, #tpu.memory_space<hbm>>)
    %add3A_724 = arith.constant 384 : i32
    %add3A_725 = arith.addi %mul3A_32, %add3A_724 : i32
    %dma_start3A_726 = arith.constant 0 : i32
    %dma_start3A_727 = arith.constant 0 : i32
    %dma_start3A_728 = arith.constant 0 : i32
    %dma_start3A_729 = tpu.memref_slice %arg4[%dma_start3A_726, %dma_start3A_727, %dma_start3A_728] : memref<2x32x1024xf32, #tpu.memory_space<vmem>> -> memref<1x32x1024xf32, #tpu.memory_space<vmem>>
    %dma_start3A_730 = tpu.memref_squeeze %dma_start3A_729 : memref<1x32x1024xf32, #tpu.memory_space<vmem>> -> memref<32x1024xf32, #tpu.memory_space<vmem>>
    %dma_start3A_731 = arith.constant 0 : i32
    %dma_start3A_732 = tpu.memref_slice %arg2[%add3A_725, %dma_start3A_731] : memref<8192x1024xf32, #tpu.memory_space<hbm>> -> memref<32x1024xf32, #tpu.memory_space<hbm>>
    %dma_start3A_733 = arith.constant 0 : i32
    %dma_start3A_734 = arith.constant 0 : i32
    %dma_start3A_735 = tpu.memref_slice %arg4[%dma_start3A_726, %dma_start3A_733, %dma_start3A_734] : memref<2x32x1024xf32, #tpu.memory_space<vmem>> -> memref<1x32x1024xf32, #tpu.memory_space<vmem>>
    %dma_start3A_736 = tpu.memref_squeeze %dma_start3A_735 : memref<1x32x1024xf32, #tpu.memory_space<vmem>> -> memref<32x1024xf32, #tpu.memory_space<vmem>>
    %dma_start3A_737 = arith.constant 0 : i32
    %dma_start3A_738 = tpu.memref_slice %arg2[%add3A_725, %dma_start3A_737] : memref<8192x1024xf32, #tpu.memory_space<hbm>> -> memref<32x1024xf32, #tpu.memory_space<hbm>>
    tpu.enqueue_dma source(%dma_start3A_738 : memref<32x1024xf32, #tpu.memory_space<hbm>>) target(%dma_start3A_736 : memref<32x1024xf32, #tpu.memory_space<vmem>>) target_semaphore(%arg5 : memref<!tpu.dma_semaphore, #tpu.memory_space<semaphore_mem>>)
    %add3A_739 = arith.constant 352 : i32
    %add3A_740 = arith.addi %add3A_35, %add3A_739 : i32
    %dma_start3A_741 = arith.constant 1 : i32
    %dma_start3A_742 = arith.constant 0 : i32
    %dma_start3A_743 = arith.constant 0 : i32
    %dma_start3A_744 = tpu.memref_slice %arg4[%dma_start3A_741, %dma_start3A_742, %dma_start3A_743] : memref<2x32x1024xf32, #tpu.memory_space<vmem>> -> memref<1x32x1024xf32, #tpu.memory_space<vmem>>
    %dma_start3A_745 = tpu.memref_squeeze %dma_start3A_744 : memref<1x32x1024xf32, #tpu.memory_space<vmem>> -> memref<32x1024xf32, #tpu.memory_space<vmem>>
    %dma_start3A_746 = arith.constant 0 : i32
    %dma_start3A_747 = tpu.memref_slice %arg3[%add3A_740, %dma_start3A_746] : memref<16384x1024xf32, #tpu.memory_space<hbm>> -> memref<32x1024xf32, #tpu.memory_space<hbm>>
    %dma_start3A_748 = arith.constant 0 : i32
    %dma_start3A_749 = tpu.memref_slice %arg3[%add3A_740, %dma_start3A_748] : memref<16384x1024xf32, #tpu.memory_space<hbm>> -> memref<32x1024xf32, #tpu.memory_space<hbm>>
    %dma_start3A_750 = arith.constant 0 : i32
    %dma_start3A_751 = arith.constant 0 : i32
    %dma_start3A_752 = tpu.memref_slice %arg4[%dma_start3A_741, %dma_start3A_750, %dma_start3A_751] : memref<2x32x1024xf32, #tpu.memory_space<vmem>> -> memref<1x32x1024xf32, #tpu.memory_space<vmem>>
    %dma_start3A_753 = tpu.memref_squeeze %dma_start3A_752 : memref<1x32x1024xf32, #tpu.memory_space<vmem>> -> memref<32x1024xf32, #tpu.memory_space<vmem>>
    tpu.enqueue_dma source(%dma_start3A_753 : memref<32x1024xf32, #tpu.memory_space<vmem>>) target(%dma_start3A_749 : memref<32x1024xf32, #tpu.memory_space<hbm>>) target_semaphore(%arg6 : memref<!tpu.dma_semaphore, #tpu.memory_space<semaphore_mem>>)
    %add3A_754 = arith.constant 384 : i32
    %add3A_755 = arith.addi %mul3A_32, %add3A_754 : i32
    %dma_wait3A_756 = arith.constant 0 : i32
    %dma_wait3A_757 = arith.constant 0 : i32
    %dma_wait3A_758 = arith.constant 0 : i32
    %dma_wait3A_759 = tpu.memref_slice %arg4[%dma_wait3A_756, %dma_wait3A_757, %dma_wait3A_758] : memref<2x32x1024xf32, #tpu.memory_space<vmem>> -> memref<1x32x1024xf32, #tpu.memory_space<vmem>>
    %dma_wait3A_760 = tpu.memref_squeeze %dma_wait3A_759 : memref<1x32x1024xf32, #tpu.memory_space<vmem>> -> memref<32x1024xf32, #tpu.memory_space<vmem>>
    %dma_wait3A_761 = arith.constant 0 : i32
    %dma_wait3A_762 = tpu.memref_slice %arg2[%add3A_755, %dma_wait3A_761] : memref<8192x1024xf32, #tpu.memory_space<hbm>> -> memref<32x1024xf32, #tpu.memory_space<hbm>>
    %dma_wait3A_763 = arith.constant 0 : i32
    %dma_wait3A_764 = arith.constant 0 : i32
    %dma_wait3A_765 = tpu.memref_slice %arg4[%dma_wait3A_756, %dma_wait3A_763, %dma_wait3A_764] : memref<2x32x1024xf32, #tpu.memory_space<vmem>> -> memref<1x32x1024xf32, #tpu.memory_space<vmem>>
    %dma_wait3A_766 = tpu.memref_squeeze %dma_wait3A_765 : memref<1x32x1024xf32, #tpu.memory_space<vmem>> -> memref<32x1024xf32, #tpu.memory_space<vmem>>
    %dma_wait3A_767 = arith.constant 0 : i32
    %dma_wait3A_768 = tpu.memref_slice %arg2[%add3A_755, %dma_wait3A_767] : memref<8192x1024xf32, #tpu.memory_space<hbm>> -> memref<32x1024xf32, #tpu.memory_space<hbm>>
    tpu.wait_dma2 semaphore(%arg5 : memref<!tpu.dma_semaphore, #tpu.memory_space<semaphore_mem>>) src(%dma_wait3A_768 : memref<32x1024xf32, #tpu.memory_space<hbm>>) dst(%dma_wait3A_766 : memref<32x1024xf32, #tpu.memory_space<vmem>>)
    %add3A_769 = arith.constant 352 : i32
    %add3A_770 = arith.addi %add3A_35, %add3A_769 : i32
    %dma_wait3A_771 = arith.constant 1 : i32
    %dma_wait3A_772 = arith.constant 0 : i32
    %dma_wait3A_773 = arith.constant 0 : i32
    %dma_wait3A_774 = tpu.memref_slice %arg4[%dma_wait3A_771, %dma_wait3A_772, %dma_wait3A_773] : memref<2x32x1024xf32, #tpu.memory_space<vmem>> -> memref<1x32x1024xf32, #tpu.memory_space<vmem>>
    %dma_wait3A_775 = tpu.memref_squeeze %dma_wait3A_774 : memref<1x32x1024xf32, #tpu.memory_space<vmem>> -> memref<32x1024xf32, #tpu.memory_space<vmem>>
    %dma_wait3A_776 = arith.constant 0 : i32
    %dma_wait3A_777 = tpu.memref_slice %arg3[%add3A_770, %dma_wait3A_776] : memref<16384x1024xf32, #tpu.memory_space<hbm>> -> memref<32x1024xf32, #tpu.memory_space<hbm>>
    %dma_wait3A_778 = arith.constant 0 : i32
    %dma_wait3A_779 = tpu.memref_slice %arg3[%add3A_770, %dma_wait3A_778] : memref<16384x1024xf32, #tpu.memory_space<hbm>> -> memref<32x1024xf32, #tpu.memory_space<hbm>>
    %dma_wait3A_780 = arith.constant 0 : i32
    %dma_wait3A_781 = arith.constant 0 : i32
    %dma_wait3A_782 = tpu.memref_slice %arg4[%dma_wait3A_771, %dma_wait3A_780, %dma_wait3A_781] : memref<2x32x1024xf32, #tpu.memory_space<vmem>> -> memref<1x32x1024xf32, #tpu.memory_space<vmem>>
    %dma_wait3A_783 = tpu.memref_squeeze %dma_wait3A_782 : memref<1x32x1024xf32, #tpu.memory_space<vmem>> -> memref<32x1024xf32, #tpu.memory_space<vmem>>
    tpu.wait_dma2 semaphore(%arg6 : memref<!tpu.dma_semaphore, #tpu.memory_space<semaphore_mem>>) src(%dma_wait3A_783 : memref<32x1024xf32, #tpu.memory_space<vmem>>) dst(%dma_wait3A_779 : memref<32x1024xf32, #tpu.memory_space<hbm>>)
    %add3A_784 = arith.constant 416 : i32
    %add3A_785 = arith.addi %mul3A_32, %add3A_784 : i32
    %dma_start3A_786 = arith.constant 1 : i32
    %dma_start3A_787 = arith.constant 0 : i32
    %dma_start3A_788 = arith.constant 0 : i32
    %dma_start3A_789 = tpu.memref_slice %arg4[%dma_start3A_786, %dma_start3A_787, %dma_start3A_788] : memref<2x32x1024xf32, #tpu.memory_space<vmem>> -> memref<1x32x1024xf32, #tpu.memory_space<vmem>>
    %dma_start3A_790 = tpu.memref_squeeze %dma_start3A_789 : memref<1x32x1024xf32, #tpu.memory_space<vmem>> -> memref<32x1024xf32, #tpu.memory_space<vmem>>
    %dma_start3A_791 = arith.constant 0 : i32
    %dma_start3A_792 = tpu.memref_slice %arg2[%add3A_785, %dma_start3A_791] : memref<8192x1024xf32, #tpu.memory_space<hbm>> -> memref<32x1024xf32, #tpu.memory_space<hbm>>
    %dma_start3A_793 = arith.constant 0 : i32
    %dma_start3A_794 = arith.constant 0 : i32
    %dma_start3A_795 = tpu.memref_slice %arg4[%dma_start3A_786, %dma_start3A_793, %dma_start3A_794] : memref<2x32x1024xf32, #tpu.memory_space<vmem>> -> memref<1x32x1024xf32, #tpu.memory_space<vmem>>
    %dma_start3A_796 = tpu.memref_squeeze %dma_start3A_795 : memref<1x32x1024xf32, #tpu.memory_space<vmem>> -> memref<32x1024xf32, #tpu.memory_space<vmem>>
    %dma_start3A_797 = arith.constant 0 : i32
    %dma_start3A_798 = tpu.memref_slice %arg2[%add3A_785, %dma_start3A_797] : memref<8192x1024xf32, #tpu.memory_space<hbm>> -> memref<32x1024xf32, #tpu.memory_space<hbm>>
    tpu.enqueue_dma source(%dma_start3A_798 : memref<32x1024xf32, #tpu.memory_space<hbm>>) target(%dma_start3A_796 : memref<32x1024xf32, #tpu.memory_space<vmem>>) target_semaphore(%arg5 : memref<!tpu.dma_semaphore, #tpu.memory_space<semaphore_mem>>)
    %add3A_799 = arith.constant 384 : i32
    %add3A_800 = arith.addi %add3A_35, %add3A_799 : i32
    %dma_start3A_801 = arith.constant 0 : i32
    %dma_start3A_802 = arith.constant 0 : i32
    %dma_start3A_803 = arith.constant 0 : i32
    %dma_start3A_804 = tpu.memref_slice %arg4[%dma_start3A_801, %dma_start3A_802, %dma_start3A_803] : memref<2x32x1024xf32, #tpu.memory_space<vmem>> -> memref<1x32x1024xf32, #tpu.memory_space<vmem>>
    %dma_start3A_805 = tpu.memref_squeeze %dma_start3A_804 : memref<1x32x1024xf32, #tpu.memory_space<vmem>> -> memref<32x1024xf32, #tpu.memory_space<vmem>>
    %dma_start3A_806 = arith.constant 0 : i32
    %dma_start3A_807 = tpu.memref_slice %arg3[%add3A_800, %dma_start3A_806] : memref<16384x1024xf32, #tpu.memory_space<hbm>> -> memref<32x1024xf32, #tpu.memory_space<hbm>>
    %dma_start3A_808 = arith.constant 0 : i32
    %dma_start3A_809 = tpu.memref_slice %arg3[%add3A_800, %dma_start3A_808] : memref<16384x1024xf32, #tpu.memory_space<hbm>> -> memref<32x1024xf32, #tpu.memory_space<hbm>>
    %dma_start3A_810 = arith.constant 0 : i32
    %dma_start3A_811 = arith.constant 0 : i32
    %dma_start3A_812 = tpu.memref_slice %arg4[%dma_start3A_801, %dma_start3A_810, %dma_start3A_811] : memref<2x32x1024xf32, #tpu.memory_space<vmem>> -> memref<1x32x1024xf32, #tpu.memory_space<vmem>>
    %dma_start3A_813 = tpu.memref_squeeze %dma_start3A_812 : memref<1x32x1024xf32, #tpu.memory_space<vmem>> -> memref<32x1024xf32, #tpu.memory_space<vmem>>
    tpu.enqueue_dma source(%dma_start3A_813 : memref<32x1024xf32, #tpu.memory_space<vmem>>) target(%dma_start3A_809 : memref<32x1024xf32, #tpu.memory_space<hbm>>) target_semaphore(%arg6 : memref<!tpu.dma_semaphore, #tpu.memory_space<semaphore_mem>>)
    %add3A_814 = arith.constant 416 : i32
    %add3A_815 = arith.addi %mul3A_32, %add3A_814 : i32
    %dma_wait3A_816 = arith.constant 1 : i32
    %dma_wait3A_817 = arith.constant 0 : i32
    %dma_wait3A_818 = arith.constant 0 : i32
    %dma_wait3A_819 = tpu.memref_slice %arg4[%dma_wait3A_816, %dma_wait3A_817, %dma_wait3A_818] : memref<2x32x1024xf32, #tpu.memory_space<vmem>> -> memref<1x32x1024xf32, #tpu.memory_space<vmem>>
    %dma_wait3A_820 = tpu.memref_squeeze %dma_wait3A_819 : memref<1x32x1024xf32, #tpu.memory_space<vmem>> -> memref<32x1024xf32, #tpu.memory_space<vmem>>
    %dma_wait3A_821 = arith.constant 0 : i32
    %dma_wait3A_822 = tpu.memref_slice %arg2[%add3A_815, %dma_wait3A_821] : memref<8192x1024xf32, #tpu.memory_space<hbm>> -> memref<32x1024xf32, #tpu.memory_space<hbm>>
    %dma_wait3A_823 = arith.constant 0 : i32
    %dma_wait3A_824 = arith.constant 0 : i32
    %dma_wait3A_825 = tpu.memref_slice %arg4[%dma_wait3A_816, %dma_wait3A_823, %dma_wait3A_824] : memref<2x32x1024xf32, #tpu.memory_space<vmem>> -> memref<1x32x1024xf32, #tpu.memory_space<vmem>>
    %dma_wait3A_826 = tpu.memref_squeeze %dma_wait3A_825 : memref<1x32x1024xf32, #tpu.memory_space<vmem>> -> memref<32x1024xf32, #tpu.memory_space<vmem>>
    %dma_wait3A_827 = arith.constant 0 : i32
    %dma_wait3A_828 = tpu.memref_slice %arg2[%add3A_815, %dma_wait3A_827] : memref<8192x1024xf32, #tpu.memory_space<hbm>> -> memref<32x1024xf32, #tpu.memory_space<hbm>>
    tpu.wait_dma2 semaphore(%arg5 : memref<!tpu.dma_semaphore, #tpu.memory_space<semaphore_mem>>) src(%dma_wait3A_828 : memref<32x1024xf32, #tpu.memory_space<hbm>>) dst(%dma_wait3A_826 : memref<32x1024xf32, #tpu.memory_space<vmem>>)
    %add3A_829 = arith.constant 384 : i32
    %add3A_830 = arith.addi %add3A_35, %add3A_829 : i32
    %dma_wait3A_831 = arith.constant 0 : i32
    %dma_wait3A_832 = arith.constant 0 : i32
    %dma_wait3A_833 = arith.constant 0 : i32
    %dma_wait3A_834 = tpu.memref_slice %arg4[%dma_wait3A_831, %dma_wait3A_832, %dma_wait3A_833] : memref<2x32x1024xf32, #tpu.memory_space<vmem>> -> memref<1x32x1024xf32, #tpu.memory_space<vmem>>
    %dma_wait3A_835 = tpu.memref_squeeze %dma_wait3A_834 : memref<1x32x1024xf32, #tpu.memory_space<vmem>> -> memref<32x1024xf32, #tpu.memory_space<vmem>>
    %dma_wait3A_836 = arith.constant 0 : i32
    %dma_wait3A_837 = tpu.memref_slice %arg3[%add3A_830, %dma_wait3A_836] : memref<16384x1024xf32, #tpu.memory_space<hbm>> -> memref<32x1024xf32, #tpu.memory_space<hbm>>
    %dma_wait3A_838 = arith.constant 0 : i32
    %dma_wait3A_839 = tpu.memref_slice %arg3[%add3A_830, %dma_wait3A_838] : memref<16384x1024xf32, #tpu.memory_space<hbm>> -> memref<32x1024xf32, #tpu.memory_space<hbm>>
    %dma_wait3A_840 = arith.constant 0 : i32
    %dma_wait3A_841 = arith.constant 0 : i32
    %dma_wait3A_842 = tpu.memref_slice %arg4[%dma_wait3A_831, %dma_wait3A_840, %dma_wait3A_841] : memref<2x32x1024xf32, #tpu.memory_space<vmem>> -> memref<1x32x1024xf32, #tpu.memory_space<vmem>>
    %dma_wait3A_843 = tpu.memref_squeeze %dma_wait3A_842 : memref<1x32x1024xf32, #tpu.memory_space<vmem>> -> memref<32x1024xf32, #tpu.memory_space<vmem>>
    tpu.wait_dma2 semaphore(%arg6 : memref<!tpu.dma_semaphore, #tpu.memory_space<semaphore_mem>>) src(%dma_wait3A_843 : memref<32x1024xf32, #tpu.memory_space<vmem>>) dst(%dma_wait3A_839 : memref<32x1024xf32, #tpu.memory_space<hbm>>)
    %add3A_844 = arith.constant 448 : i32
    %add3A_845 = arith.addi %mul3A_32, %add3A_844 : i32
    %dma_start3A_846 = arith.constant 0 : i32
    %dma_start3A_847 = arith.constant 0 : i32
    %dma_start3A_848 = arith.constant 0 : i32
    %dma_start3A_849 = tpu.memref_slice %arg4[%dma_start3A_846, %dma_start3A_847, %dma_start3A_848] : memref<2x32x1024xf32, #tpu.memory_space<vmem>> -> memref<1x32x1024xf32, #tpu.memory_space<vmem>>
    %dma_start3A_850 = tpu.memref_squeeze %dma_start3A_849 : memref<1x32x1024xf32, #tpu.memory_space<vmem>> -> memref<32x1024xf32, #tpu.memory_space<vmem>>
    %dma_start3A_851 = arith.constant 0 : i32
    %dma_start3A_852 = tpu.memref_slice %arg2[%add3A_845, %dma_start3A_851] : memref<8192x1024xf32, #tpu.memory_space<hbm>> -> memref<32x1024xf32, #tpu.memory_space<hbm>>
    %dma_start3A_853 = arith.constant 0 : i32
    %dma_start3A_854 = arith.constant 0 : i32
    %dma_start3A_855 = tpu.memref_slice %arg4[%dma_start3A_846, %dma_start3A_853, %dma_start3A_854] : memref<2x32x1024xf32, #tpu.memory_space<vmem>> -> memref<1x32x1024xf32, #tpu.memory_space<vmem>>
    %dma_start3A_856 = tpu.memref_squeeze %dma_start3A_855 : memref<1x32x1024xf32, #tpu.memory_space<vmem>> -> memref<32x1024xf32, #tpu.memory_space<vmem>>
    %dma_start3A_857 = arith.constant 0 : i32
    %dma_start3A_858 = tpu.memref_slice %arg2[%add3A_845, %dma_start3A_857] : memref<8192x1024xf32, #tpu.memory_space<hbm>> -> memref<32x1024xf32, #tpu.memory_space<hbm>>
    tpu.enqueue_dma source(%dma_start3A_858 : memref<32x1024xf32, #tpu.memory_space<hbm>>) target(%dma_start3A_856 : memref<32x1024xf32, #tpu.memory_space<vmem>>) target_semaphore(%arg5 : memref<!tpu.dma_semaphore, #tpu.memory_space<semaphore_mem>>)
    %add3A_859 = arith.constant 416 : i32
    %add3A_860 = arith.addi %add3A_35, %add3A_859 : i32
    %dma_start3A_861 = arith.constant 1 : i32
    %dma_start3A_862 = arith.constant 0 : i32
    %dma_start3A_863 = arith.constant 0 : i32
    %dma_start3A_864 = tpu.memref_slice %arg4[%dma_start3A_861, %dma_start3A_862, %dma_start3A_863] : memref<2x32x1024xf32, #tpu.memory_space<vmem>> -> memref<1x32x1024xf32, #tpu.memory_space<vmem>>
    %dma_start3A_865 = tpu.memref_squeeze %dma_start3A_864 : memref<1x32x1024xf32, #tpu.memory_space<vmem>> -> memref<32x1024xf32, #tpu.memory_space<vmem>>
    %dma_start3A_866 = arith.constant 0 : i32
    %dma_start3A_867 = tpu.memref_slice %arg3[%add3A_860, %dma_start3A_866] : memref<16384x1024xf32, #tpu.memory_space<hbm>> -> memref<32x1024xf32, #tpu.memory_space<hbm>>
    %dma_start3A_868 = arith.constant 0 : i32
    %dma_start3A_869 = tpu.memref_slice %arg3[%add3A_860, %dma_start3A_868] : memref<16384x1024xf32, #tpu.memory_space<hbm>> -> memref<32x1024xf32, #tpu.memory_space<hbm>>
    %dma_start3A_870 = arith.constant 0 : i32
    %dma_start3A_871 = arith.constant 0 : i32
    %dma_start3A_872 = tpu.memref_slice %arg4[%dma_start3A_861, %dma_start3A_870, %dma_start3A_871] : memref<2x32x1024xf32, #tpu.memory_space<vmem>> -> memref<1x32x1024xf32, #tpu.memory_space<vmem>>
    %dma_start3A_873 = tpu.memref_squeeze %dma_start3A_872 : memref<1x32x1024xf32, #tpu.memory_space<vmem>> -> memref<32x1024xf32, #tpu.memory_space<vmem>>
    tpu.enqueue_dma source(%dma_start3A_873 : memref<32x1024xf32, #tpu.memory_space<vmem>>) target(%dma_start3A_869 : memref<32x1024xf32, #tpu.memory_space<hbm>>) target_semaphore(%arg6 : memref<!tpu.dma_semaphore, #tpu.memory_space<semaphore_mem>>)
    %add3A_874 = arith.constant 448 : i32
    %add3A_875 = arith.addi %mul3A_32, %add3A_874 : i32
    %dma_wait3A_876 = arith.constant 0 : i32
    %dma_wait3A_877 = arith.constant 0 : i32
    %dma_wait3A_878 = arith.constant 0 : i32
    %dma_wait3A_879 = tpu.memref_slice %arg4[%dma_wait3A_876, %dma_wait3A_877, %dma_wait3A_878] : memref<2x32x1024xf32, #tpu.memory_space<vmem>> -> memref<1x32x1024xf32, #tpu.memory_space<vmem>>
    %dma_wait3A_880 = tpu.memref_squeeze %dma_wait3A_879 : memref<1x32x1024xf32, #tpu.memory_space<vmem>> -> memref<32x1024xf32, #tpu.memory_space<vmem>>
    %dma_wait3A_881 = arith.constant 0 : i32
    %dma_wait3A_882 = tpu.memref_slice %arg2[%add3A_875, %dma_wait3A_881] : memref<8192x1024xf32, #tpu.memory_space<hbm>> -> memref<32x1024xf32, #tpu.memory_space<hbm>>
    %dma_wait3A_883 = arith.constant 0 : i32
    %dma_wait3A_884 = arith.constant 0 : i32
    %dma_wait3A_885 = tpu.memref_slice %arg4[%dma_wait3A_876, %dma_wait3A_883, %dma_wait3A_884] : memref<2x32x1024xf32, #tpu.memory_space<vmem>> -> memref<1x32x1024xf32, #tpu.memory_space<vmem>>
    %dma_wait3A_886 = tpu.memref_squeeze %dma_wait3A_885 : memref<1x32x1024xf32, #tpu.memory_space<vmem>> -> memref<32x1024xf32, #tpu.memory_space<vmem>>
    %dma_wait3A_887 = arith.constant 0 : i32
    %dma_wait3A_888 = tpu.memref_slice %arg2[%add3A_875, %dma_wait3A_887] : memref<8192x1024xf32, #tpu.memory_space<hbm>> -> memref<32x1024xf32, #tpu.memory_space<hbm>>
    tpu.wait_dma2 semaphore(%arg5 : memref<!tpu.dma_semaphore, #tpu.memory_space<semaphore_mem>>) src(%dma_wait3A_888 : memref<32x1024xf32, #tpu.memory_space<hbm>>) dst(%dma_wait3A_886 : memref<32x1024xf32, #tpu.memory_space<vmem>>)
    %add3A_889 = arith.constant 416 : i32
    %add3A_890 = arith.addi %add3A_35, %add3A_889 : i32
    %dma_wait3A_891 = arith.constant 1 : i32
    %dma_wait3A_892 = arith.constant 0 : i32
    %dma_wait3A_893 = arith.constant 0 : i32
    %dma_wait3A_894 = tpu.memref_slice %arg4[%dma_wait3A_891, %dma_wait3A_892, %dma_wait3A_893] : memref<2x32x1024xf32, #tpu.memory_space<vmem>> -> memref<1x32x1024xf32, #tpu.memory_space<vmem>>
    %dma_wait3A_895 = tpu.memref_squeeze %dma_wait3A_894 : memref<1x32x1024xf32, #tpu.memory_space<vmem>> -> memref<32x1024xf32, #tpu.memory_space<vmem>>
    %dma_wait3A_896 = arith.constant 0 : i32
    %dma_wait3A_897 = tpu.memref_slice %arg3[%add3A_890, %dma_wait3A_896] : memref<16384x1024xf32, #tpu.memory_space<hbm>> -> memref<32x1024xf32, #tpu.memory_space<hbm>>
    %dma_wait3A_898 = arith.constant 0 : i32
    %dma_wait3A_899 = tpu.memref_slice %arg3[%add3A_890, %dma_wait3A_898] : memref<16384x1024xf32, #tpu.memory_space<hbm>> -> memref<32x1024xf32, #tpu.memory_space<hbm>>
    %dma_wait3A_900 = arith.constant 0 : i32
    %dma_wait3A_901 = arith.constant 0 : i32
    %dma_wait3A_902 = tpu.memref_slice %arg4[%dma_wait3A_891, %dma_wait3A_900, %dma_wait3A_901] : memref<2x32x1024xf32, #tpu.memory_space<vmem>> -> memref<1x32x1024xf32, #tpu.memory_space<vmem>>
    %dma_wait3A_903 = tpu.memref_squeeze %dma_wait3A_902 : memref<1x32x1024xf32, #tpu.memory_space<vmem>> -> memref<32x1024xf32, #tpu.memory_space<vmem>>
    tpu.wait_dma2 semaphore(%arg6 : memref<!tpu.dma_semaphore, #tpu.memory_space<semaphore_mem>>) src(%dma_wait3A_903 : memref<32x1024xf32, #tpu.memory_space<vmem>>) dst(%dma_wait3A_899 : memref<32x1024xf32, #tpu.memory_space<hbm>>)
    %add3A_904 = arith.constant 480 : i32
    %add3A_905 = arith.addi %mul3A_32, %add3A_904 : i32
    %dma_start3A_906 = arith.constant 1 : i32
    %dma_start3A_907 = arith.constant 0 : i32
    %dma_start3A_908 = arith.constant 0 : i32
    %dma_start3A_909 = tpu.memref_slice %arg4[%dma_start3A_906, %dma_start3A_907, %dma_start3A_908] : memref<2x32x1024xf32, #tpu.memory_space<vmem>> -> memref<1x32x1024xf32, #tpu.memory_space<vmem>>
    %dma_start3A_910 = tpu.memref_squeeze %dma_start3A_909 : memref<1x32x1024xf32, #tpu.memory_space<vmem>> -> memref<32x1024xf32, #tpu.memory_space<vmem>>
    %dma_start3A_911 = arith.constant 0 : i32
    %dma_start3A_912 = tpu.memref_slice %arg2[%add3A_905, %dma_start3A_911] : memref<8192x1024xf32, #tpu.memory_space<hbm>> -> memref<32x1024xf32, #tpu.memory_space<hbm>>
    %dma_start3A_913 = arith.constant 0 : i32
    %dma_start3A_914 = arith.constant 0 : i32
    %dma_start3A_915 = tpu.memref_slice %arg4[%dma_start3A_906, %dma_start3A_913, %dma_start3A_914] : memref<2x32x1024xf32, #tpu.memory_space<vmem>> -> memref<1x32x1024xf32, #tpu.memory_space<vmem>>
    %dma_start3A_916 = tpu.memref_squeeze %dma_start3A_915 : memref<1x32x1024xf32, #tpu.memory_space<vmem>> -> memref<32x1024xf32, #tpu.memory_space<vmem>>
    %dma_start3A_917 = arith.constant 0 : i32
    %dma_start3A_918 = tpu.memref_slice %arg2[%add3A_905, %dma_start3A_917] : memref<8192x1024xf32, #tpu.memory_space<hbm>> -> memref<32x1024xf32, #tpu.memory_space<hbm>>
    tpu.enqueue_dma source(%dma_start3A_918 : memref<32x1024xf32, #tpu.memory_space<hbm>>) target(%dma_start3A_916 : memref<32x1024xf32, #tpu.memory_space<vmem>>) target_semaphore(%arg5 : memref<!tpu.dma_semaphore, #tpu.memory_space<semaphore_mem>>)
    %add3A_919 = arith.constant 448 : i32
    %add3A_920 = arith.addi %add3A_35, %add3A_919 : i32
    %dma_start3A_921 = arith.constant 0 : i32
    %dma_start3A_922 = arith.constant 0 : i32
    %dma_start3A_923 = arith.constant 0 : i32
    %dma_start3A_924 = tpu.memref_slice %arg4[%dma_start3A_921, %dma_start3A_922, %dma_start3A_923] : memref<2x32x1024xf32, #tpu.memory_space<vmem>> -> memref<1x32x1024xf32, #tpu.memory_space<vmem>>
    %dma_start3A_925 = tpu.memref_squeeze %dma_start3A_924 : memref<1x32x1024xf32, #tpu.memory_space<vmem>> -> memref<32x1024xf32, #tpu.memory_space<vmem>>
    %dma_start3A_926 = arith.constant 0 : i32
    %dma_start3A_927 = tpu.memref_slice %arg3[%add3A_920, %dma_start3A_926] : memref<16384x1024xf32, #tpu.memory_space<hbm>> -> memref<32x1024xf32, #tpu.memory_space<hbm>>
    %dma_start3A_928 = arith.constant 0 : i32
    %dma_start3A_929 = tpu.memref_slice %arg3[%add3A_920, %dma_start3A_928] : memref<16384x1024xf32, #tpu.memory_space<hbm>> -> memref<32x1024xf32, #tpu.memory_space<hbm>>
    %dma_start3A_930 = arith.constant 0 : i32
    %dma_start3A_931 = arith.constant 0 : i32
    %dma_start3A_932 = tpu.memref_slice %arg4[%dma_start3A_921, %dma_start3A_930, %dma_start3A_931] : memref<2x32x1024xf32, #tpu.memory_space<vmem>> -> memref<1x32x1024xf32, #tpu.memory_space<vmem>>
    %dma_start3A_933 = tpu.memref_squeeze %dma_start3A_932 : memref<1x32x1024xf32, #tpu.memory_space<vmem>> -> memref<32x1024xf32, #tpu.memory_space<vmem>>
    tpu.enqueue_dma source(%dma_start3A_933 : memref<32x1024xf32, #tpu.memory_space<vmem>>) target(%dma_start3A_929 : memref<32x1024xf32, #tpu.memory_space<hbm>>) target_semaphore(%arg6 : memref<!tpu.dma_semaphore, #tpu.memory_space<semaphore_mem>>)
    %add3A_934 = arith.constant 480 : i32
    %add3A_935 = arith.addi %mul3A_32, %add3A_934 : i32
    %dma_wait3A_936 = arith.constant 1 : i32
    %dma_wait3A_937 = arith.constant 0 : i32
    %dma_wait3A_938 = arith.constant 0 : i32
    %dma_wait3A_939 = tpu.memref_slice %arg4[%dma_wait3A_936, %dma_wait3A_937, %dma_wait3A_938] : memref<2x32x1024xf32, #tpu.memory_space<vmem>> -> memref<1x32x1024xf32, #tpu.memory_space<vmem>>
    %dma_wait3A_940 = tpu.memref_squeeze %dma_wait3A_939 : memref<1x32x1024xf32, #tpu.memory_space<vmem>> -> memref<32x1024xf32, #tpu.memory_space<vmem>>
    %dma_wait3A_941 = arith.constant 0 : i32
    %dma_wait3A_942 = tpu.memref_slice %arg2[%add3A_935, %dma_wait3A_941] : memref<8192x1024xf32, #tpu.memory_space<hbm>> -> memref<32x1024xf32, #tpu.memory_space<hbm>>
    %dma_wait3A_943 = arith.constant 0 : i32
    %dma_wait3A_944 = arith.constant 0 : i32
    %dma_wait3A_945 = tpu.memref_slice %arg4[%dma_wait3A_936, %dma_wait3A_943, %dma_wait3A_944] : memref<2x32x1024xf32, #tpu.memory_space<vmem>> -> memref<1x32x1024xf32, #tpu.memory_space<vmem>>
    %dma_wait3A_946 = tpu.memref_squeeze %dma_wait3A_945 : memref<1x32x1024xf32, #tpu.memory_space<vmem>> -> memref<32x1024xf32, #tpu.memory_space<vmem>>
    %dma_wait3A_947 = arith.constant 0 : i32
    %dma_wait3A_948 = tpu.memref_slice %arg2[%add3A_935, %dma_wait3A_947] : memref<8192x1024xf32, #tpu.memory_space<hbm>> -> memref<32x1024xf32, #tpu.memory_space<hbm>>
    tpu.wait_dma2 semaphore(%arg5 : memref<!tpu.dma_semaphore, #tpu.memory_space<semaphore_mem>>) src(%dma_wait3A_948 : memref<32x1024xf32, #tpu.memory_space<hbm>>) dst(%dma_wait3A_946 : memref<32x1024xf32, #tpu.memory_space<vmem>>)
    %add3A_949 = arith.constant 480 : i32
    %add3A_950 = arith.addi %add3A_35, %add3A_949 : i32
    %dma_start3A_951 = arith.constant 1 : i32
    %dma_start3A_952 = arith.constant 0 : i32
    %dma_start3A_953 = arith.constant 0 : i32
    %dma_start3A_954 = tpu.memref_slice %arg4[%dma_start3A_951, %dma_start3A_952, %dma_start3A_953] : memref<2x32x1024xf32, #tpu.memory_space<vmem>> -> memref<1x32x1024xf32, #tpu.memory_space<vmem>>
    %dma_start3A_955 = tpu.memref_squeeze %dma_start3A_954 : memref<1x32x1024xf32, #tpu.memory_space<vmem>> -> memref<32x1024xf32, #tpu.memory_space<vmem>>
    %dma_start3A_956 = arith.constant 0 : i32
    %dma_start3A_957 = tpu.memref_slice %arg3[%add3A_950, %dma_start3A_956] : memref<16384x1024xf32, #tpu.memory_space<hbm>> -> memref<32x1024xf32, #tpu.memory_space<hbm>>
    %dma_start3A_958 = arith.constant 0 : i32
    %dma_start3A_959 = tpu.memref_slice %arg3[%add3A_950, %dma_start3A_958] : memref<16384x1024xf32, #tpu.memory_space<hbm>> -> memref<32x1024xf32, #tpu.memory_space<hbm>>
    %dma_start3A_960 = arith.constant 0 : i32
    %dma_start3A_961 = arith.constant 0 : i32
    %dma_start3A_962 = tpu.memref_slice %arg4[%dma_start3A_951, %dma_start3A_960, %dma_start3A_961] : memref<2x32x1024xf32, #tpu.memory_space<vmem>> -> memref<1x32x1024xf32, #tpu.memory_space<vmem>>
    %dma_start3A_963 = tpu.memref_squeeze %dma_start3A_962 : memref<1x32x1024xf32, #tpu.memory_space<vmem>> -> memref<32x1024xf32, #tpu.memory_space<vmem>>
    tpu.enqueue_dma source(%dma_start3A_963 : memref<32x1024xf32, #tpu.memory_space<vmem>>) target(%dma_start3A_959 : memref<32x1024xf32, #tpu.memory_space<hbm>>) target_semaphore(%arg6 : memref<!tpu.dma_semaphore, #tpu.memory_space<semaphore_mem>>)
    %add3A_964 = arith.constant 448 : i32
    %add3A_965 = arith.addi %add3A_35, %add3A_964 : i32
    %dma_wait3A_966 = arith.constant 0 : i32
    %dma_wait3A_967 = arith.constant 0 : i32
    %dma_wait3A_968 = arith.constant 0 : i32
    %dma_wait3A_969 = tpu.memref_slice %arg4[%dma_wait3A_966, %dma_wait3A_967, %dma_wait3A_968] : memref<2x32x1024xf32, #tpu.memory_space<vmem>> -> memref<1x32x1024xf32, #tpu.memory_space<vmem>>
    %dma_wait3A_970 = tpu.memref_squeeze %dma_wait3A_969 : memref<1x32x1024xf32, #tpu.memory_space<vmem>> -> memref<32x1024xf32, #tpu.memory_space<vmem>>
    %dma_wait3A_971 = arith.constant 0 : i32
    %dma_wait3A_972 = tpu.memref_slice %arg3[%add3A_965, %dma_wait3A_971] : memref<16384x1024xf32, #tpu.memory_space<hbm>> -> memref<32x1024xf32, #tpu.memory_space<hbm>>
    %dma_wait3A_973 = arith.constant 0 : i32
    %dma_wait3A_974 = tpu.memref_slice %arg3[%add3A_965, %dma_wait3A_973] : memref<16384x1024xf32, #tpu.memory_space<hbm>> -> memref<32x1024xf32, #tpu.memory_space<hbm>>
    %dma_wait3A_975 = arith.constant 0 : i32
    %dma_wait3A_976 = arith.constant 0 : i32
    %dma_wait3A_977 = tpu.memref_slice %arg4[%dma_wait3A_966, %dma_wait3A_975, %dma_wait3A_976] : memref<2x32x1024xf32, #tpu.memory_space<vmem>> -> memref<1x32x1024xf32, #tpu.memory_space<vmem>>
    %dma_wait3A_978 = tpu.memref_squeeze %dma_wait3A_977 : memref<1x32x1024xf32, #tpu.memory_space<vmem>> -> memref<32x1024xf32, #tpu.memory_space<vmem>>
    tpu.wait_dma2 semaphore(%arg6 : memref<!tpu.dma_semaphore, #tpu.memory_space<semaphore_mem>>) src(%dma_wait3A_978 : memref<32x1024xf32, #tpu.memory_space<vmem>>) dst(%dma_wait3A_974 : memref<32x1024xf32, #tpu.memory_space<hbm>>)
    %add3A_979 = arith.constant 480 : i32
    %add3A_980 = arith.addi %add3A_35, %add3A_979 : i32
    %dma_wait3A_981 = arith.constant 1 : i32
    %dma_wait3A_982 = arith.constant 0 : i32
    %dma_wait3A_983 = arith.constant 0 : i32
    %dma_wait3A_984 = tpu.memref_slice %arg4[%dma_wait3A_981, %dma_wait3A_982, %dma_wait3A_983] : memref<2x32x1024xf32, #tpu.memory_space<vmem>> -> memref<1x32x1024xf32, #tpu.memory_space<vmem>>
    %dma_wait3A_985 = tpu.memref_squeeze %dma_wait3A_984 : memref<1x32x1024xf32, #tpu.memory_space<vmem>> -> memref<32x1024xf32, #tpu.memory_space<vmem>>
    %dma_wait3A_986 = arith.constant 0 : i32
    %dma_wait3A_987 = tpu.memref_slice %arg3[%add3A_980, %dma_wait3A_986] : memref<16384x1024xf32, #tpu.memory_space<hbm>> -> memref<32x1024xf32, #tpu.memory_space<hbm>>
    %dma_wait3A_988 = arith.constant 0 : i32
    %dma_wait3A_989 = tpu.memref_slice %arg3[%add3A_980, %dma_wait3A_988] : memref<16384x1024xf32, #tpu.memory_space<hbm>> -> memref<32x1024xf32, #tpu.memory_space<hbm>>
    %dma_wait3A_990 = arith.constant 0 : i32
    %dma_wait3A_991 = arith.constant 0 : i32
    %dma_wait3A_992 = tpu.memref_slice %arg4[%dma_wait3A_981, %dma_wait3A_990, %dma_wait3A_991] : memref<2x32x1024xf32, #tpu.memory_space<vmem>> -> memref<1x32x1024xf32, #tpu.memory_space<vmem>>
    %dma_wait3A_993 = tpu.memref_squeeze %dma_wait3A_992 : memref<1x32x1024xf32, #tpu.memory_space<vmem>> -> memref<32x1024xf32, #tpu.memory_space<vmem>>
    tpu.wait_dma2 semaphore(%arg6 : memref<!tpu.dma_semaphore, #tpu.memory_space<semaphore_mem>>) src(%dma_wait3A_993 : memref<32x1024xf32, #tpu.memory_space<vmem>>) dst(%dma_wait3A_989 : memref<32x1024xf32, #tpu.memory_space<hbm>>)
    return
  }
}

module attributes {stable_mosaic.version = 14 : i64} {
  func.func @_copy_kernel(%arg0: i32, %arg1: memref<4x512x1024xf32, #tpu.memory_space<vmem>>, %arg2: memref<4x512x1024xf32, #tpu.memory_space<vmem>>) attributes {dimension_semantics = [#tpu.dimension_semantics<arbitrary>], iteration_bounds = array<i64: 8>, scalar_prefetch = 0 : i64, scratch_operands = 0 : i64, tpu.core_type = #tpu.core_type<tc>, window_params = [{transform_indices = @transform_0, window_bounds = array<i64: 4, 512, 1024>}, {transform_indices = @transform_1, window_bounds = array<i64: 4, 512, 1024>}]} {
    %get3A = arith.constant 0 : index
    %get3A_0 = arith.constant 0 : index
    %get3A_1 = arith.constant 0 : index
    %get3A_2 = vector.load %arg1[%get3A, %get3A_0, %get3A_1] : memref<4x512x1024xf32, #tpu.memory_space<vmem>>, vector<4x512x1024xf32>
    %swap3A = arith.constant 0 : index
    %swap3A_3 = arith.constant 0 : index
    %swap3A_4 = arith.constant 0 : index
    %swap3A_5 = vector.load %arg2[%swap3A, %swap3A_3, %swap3A_4] : memref<4x512x1024xf32, #tpu.memory_space<vmem>>, vector<4x512x1024xf32>
    tpu.vector_store %arg2[%swap3A, %swap3A_3, %swap3A_4], %get3A_2 {strides = array<i32>} : memref<4x512x1024xf32, #tpu.memory_space<vmem>>, vector<4x512x1024xf32>,
    return
  }
  func.func @transform_0(%arg0: i32) -> (i32, i32, i32) {
    %c0_i32 = arith.constant 0 : i32
    %c0_i32_0 = arith.constant 0 : i32
    %c0_i32_1 = arith.constant 0 : i32
    return %c0_i32, %arg0, %c0_i32_0 : i32, i32, i32
  }
  func.func @transform_1(%arg0: i32) -> (i32, i32, i32) {
    %c0_i32 = arith.constant 0 : i32
    %c0_i32_0 = arith.constant 0 : i32
    %c0_i32_1 = arith.constant 0 : i32
    return %c0_i32, %arg0, %c0_i32_0 : i32, i32, i32
  }
}

</mosaic_0001>

<sc_bundles>
// kernel: kernel.4.cloned.1.call-start
scs
__scs_entry_jumppad:
0x0: {  	(pc) =	sbr.rel $0x88, $3  }
0x1: {  	(tag) =	ssettag $0x0;
	lr =	simm.s32 $0x1  }
0x2: {  	[smem:$0x3F9F] =	sst lr;
	_ =	strace $0xD0000000  }
0x3: {  	_ = 	snop  }
0x4: {  	_ = 	snop  }
0x5: {  	_ = 	snop  }
0x6: {  	_ = 	snop  }
0x7: {  	_ = 	snop  }
__scs_overlays_trampoline_lowered:
0x8: {  	[smem:$0x3FAE] =	sst s0  }
0x9: {  	[smem:$0x3FAF] =	sst s1  }
0xa: {  	[smem:$0x3FB0] =	sst s2  }
0xb: {  	[smem:$0x3FB1] =	sst s3  }
0xc: {  	[smem:$0x3FB2] =	sst s4  }
0xd: {  	[smem:$0x3FB3] =	sst s5  }
0xe: {  	[smem:$0x3FB4] =	sst s6  }
0xf: {  	[smem:$0x3FB5] =	sst s7  }
0x10: {  	[smem:$0x3FB6] =	sst s8  }
0x11: {  	[smem:$0x3FB7] =	sst s9;
	s0 =	simm.s32 @!p0 $0x0  }
0x12: {  	s1 =	sld [smem:$0x3F9D];
	s0 =	simm.s32 @p0 $0x1  }
0x13: {  	[smem:$0x3FB8] =	sst s0;
	s0 =	simm.s32 @!p1 $0x0  }
0x14: {  	s2 =	sld [smem:$0x3F9C];
	s0 =	simm.s32 @p1 $0x1  }
0x15: {  	[smem:$0x3FB9] =	sst s0;
	s0 =	simm.s32 @!p2 $0x0  }
0x16: {  	s3 =	sld [smem:$0x3FDB];
	s0 =	simm.s32 @p2 $0x1  }
0x17: {  	s4 =	simm.s32 $0x1BF5;
	[smem:$0x3FBB] =	sst s0  }
0x18: {  	s0 =	sld [smem:$0x3F9E];
	_ =	swait.ge [sflag:s4], $0x0  }
0x19: {  	s7 =	sld [smem:$0x3F9F]  }
0x1a: {  	s8 =	sadd.s32 $0xFFFFE003, lr  }
0x1b: {  	s9 =	sadd.s32 $0xFFFFFEF7, lr;
	s5 =	simm.s32 $0xFFFFFFFF;
	p2 =	slt.u32 s8, $0xFFFFF086  }
0x1c: {  	p1 =	slt.u32 s9, $0xF7A;
	s5 =	simm.s32 @!p2 $0x0  }
0x1d: {  	s5 =	simm.s32 @p1 $0x1;
	p0 =	seq.s32 s7, s2  }
0x1e: {  	s7 =	smul.u32 @!p0 $0xF7A, s2;
	p2 =	seq.s32 @!p0 s5, $0x0  }
0x1f: {  	s9 =	smul.u32 $0xF7A, s1;
	s8 =	simm.s32 @!p0 $0x1BF5;
	p2 =	por !p2, p0  }
0x20: {  	[sflag:s8] =	ssyncset.s32 @!p0 $0xFFFFF086;
	s6 =	sadd.s32 @!p0 s3, s7;
	s7 =	simm.s32 @!p0 $0x108  }
0x21: {  	s3 =	sadd.s32 s3, s9;
	s6 =	sadd.s32 @!p0 $0x88, s6;
	s7 =	simm.s32 @p2 $0x1082  }
0x22: {  	[simem:s7], [sflag:s8] =	dma.local @!p0 [hbm:s6], $0xF7A  }
0x23: {  	s9 =	sor.u32 $0xD0000000, s2;
	s6 =	simm.s32 $0x108;
	_ =	swait.ge @!p0 [sflag:s8], $0x0  }
0x24: {  	s3 =	sadd.s32 $0x88, s3;
	s6 =	simm.s32 @!p1 $0x1082;
	[sflag:s4] =	ssyncset.s32 $0xFFFFF086  }
0x25: {  	[simem:s6], [sflag:s4] =	dma.local [hbm:s3], $0xF7A  }
0x26: {  	[smem:$0x3F9F] =	sst s1;
	(tag) =	ssettag s2;
	_ =	strace s9  }
0x27: {  	s1 =	sld [smem:$0x3FAF]  }
0x28: {  	s2 =	sld [smem:$0x3FB0]  }
0x29: {  	s4 =	sld [smem:$0x3FB2]  }
0x2a: {  	p0 =	seq.s32 s5, $0x0;
	s5 =	sld [smem:$0x3FB3]  }
0x2b: {  	s6 =	sld [smem:$0x3FB4]  }
0x2c: {  	s7 =	sld [smem:$0x3FB5]  }
0x2d: {  	s3 =	simm.s32 $0x108;
	s8 =	sld [smem:$0x3FB6]  }
0x2e: {  	s3 =	simm.s32 @!p0 $0x1082;
	s9 =	sld [smem:$0x3FB7]  }
0x2f: {  	lr =	sadd.s32 s0, s3;
	s0 =	sld [smem:$0x3FAE]  }
0x30: {  	s3 =	sld [smem:$0x3FB1]  }
0x31: {  	[smem:$0x3FBA] =	sst s10  }
0x32: {  	s10 =	sld [smem:$0x3FB8];
	_ =	sdelay $0x3  }
0x33: {  	p0 =	seq.s32 s10, $0x1;
	s10 =	sld [smem:$0x3FBA];
	_ =	sdelay $0x3  }
0x34: {  	[smem:$0x3FBA] =	sst s10  }
0x35: {  	s10 =	sld [smem:$0x3FB9];
	_ =	sdelay $0x3  }
0x36: {  	p1 =	seq.s32 s10, $0x1;
	s10 =	sld [smem:$0x3FBA];
	_ =	sdelay $0x3  }
0x37: {  	[smem:$0x3FBA] =	sst s10  }
0x38: {  	s10 =	sld [smem:$0x3FBB]  }
0x39: {  	_ = 	snop;
	(pc) =	sbr.ind lr, $3  }
0x3a: {  	_ = 	snop  }
0x3b: {  	_ = 	snop  }
0x3c: {  	p2 =	seq.s32 s10, $0x1;
	s10 =	sld [smem:$0x3FBA]  }
0x3d: {  	_ =	shalt  }
0x3e: {  	_ =	shalt  }
0x3f: {  	_ =	shalt  }
0x40: {  	_ =	shalt  }
0x41: {  	_ =	shalt  }
0x42: {  	_ =	shalt  }
0x43: {  	_ =	shalt  }
0x44: {  	_ =	shalt  }
0x45: {  	_ =	shalt  }
0x46: {  	_ =	shalt  }
0x47: {  	_ =	shalt  }
0x48: {  	_ =	shalt  }
0x49: {  	_ =	shalt  }
0x4a: {  	_ =	shalt  }
0x4b: {  	_ =	shalt  }
0x4c: {  	_ =	shalt  }
0x4d: {  	_ =	shalt  }
0x4e: {  	_ =	shalt  }
0x4f: {  	_ =	shalt  }
0x50: {  	_ =	shalt  }
0x51: {  	_ =	shalt  }
0x52: {  	_ =	shalt  }
0x53: {  	_ =	shalt  }
0x54: {  	_ =	shalt  }
0x55: {  	_ =	shalt  }
0x56: {  	_ =	shalt  }
0x57: {  	_ =	shalt  }
0x58: {  	_ =	shalt  }
0x59: {  	_ =	shalt  }
0x5a: {  	_ =	shalt  }
0x5b: {  	_ =	shalt  }
0x5c: {  	_ =	shalt  }
0x5d: {  	_ =	shalt  }
0x5e: {  	_ =	shalt  }
0x5f: {  	_ =	shalt  }
0x60: {  	_ =	shalt  }
0x61: {  	_ =	shalt  }
0x62: {  	_ =	shalt  }
0x63: {  	_ =	shalt  }
0x64: {  	_ =	shalt  }
0x65: {  	_ =	shalt  }
0x66: {  	_ =	shalt  }
0x67: {  	_ =	shalt  }
0x68: {  	_ =	shalt  }
0x69: {  	_ =	shalt  }
0x6a: {  	_ =	shalt  }
0x6b: {  	_ =	shalt  }
0x6c: {  	_ =	shalt  }
0x6d: {  	_ =	shalt  }
0x6e: {  	_ =	shalt  }
0x6f: {  	_ =	shalt  }
0x70: {  	_ =	shalt  }
0x71: {  	_ =	shalt  }
0x72: {  	_ =	shalt  }
0x73: {  	_ =	shalt  }
0x74: {  	_ =	shalt  }
0x75: {  	_ =	shalt  }
0x76: {  	_ =	shalt  }
0x77: {  	_ =	shalt  }
0x78: {  	_ =	shalt  }
0x79: {  	_ =	shalt  }
0x7a: {  	_ =	shalt  }
0x7b: {  	_ =	shalt  }
0x7c: {  	_ =	shalt  }
0x7d: {  	_ =	shalt  }
0x7e: {  	_ =	shalt  }
0x7f: {  	_ =	shalt  }
0x80: {  	_ =	shalt  }
0x81: {  	_ =	shalt  }
0x82: {  	_ =	shalt  }
0x83: {  	_ =	shalt  }
0x84: {  	_ =	shalt  }
0x85: {  	_ =	shalt  }
0x86: {  	_ =	shalt  }
0x87: {  	_ =	shalt  }
.Lfunc_end0:
.L_simem_size_0:
called_computation_lowered:
.L_overlay_start_0:
0x88: {  	s2 =	sld [smem:$0x3FD9]  }
0x89: {  	s3 =	sld [smem:$0x3FFE];
	_ =	sdelay $0x1  }
0x8a: {  	s1 =	srdreg.scid  }
0x8b: {  	s0 =	sand.u32 $0x1, s1  }
0x8c: {  	s15 =	sshll.u32 s0, $0xA;
	s2 =	sadd.s32 s3, s2  }
0x8d: {  	s2 =	sadd.s32 s2, s15  }
0x8e: {  	[smem:$0x3FC6] =	sst s2  }
0x8f: {  	_ = 	snop  }
0x90: {  	s2 =	sld [smem:$0x3FD0];
	_ =	sdelay $0x2  }
0x91: {  	s4 =	simm.s32 $0xA;
	s5 =	simm.s32 $0x10;
	s16 =	sld [smem:$0x3FC8]  }
0x92: {  	[smem:s5], [sflag:s4] =	dma.local [hbm:s2], $0x1  }
0x93: {  	_ =	swait.eq [sflag:s4], $0x1  }
0x94: {  	[sflag:s4] =	ssyncset.done $0x0  }
0x95: {  	[sflag:s4] =	ssyncadd.s32 $0xFFFFFFFF  }
0x96: {  	s17 =	sld [smem:$0x10];
	(tm) =	ssettm $0x1  }
0x97: {  	s18 =	sld [smem:$0x3FFB];
	_ =	sdelay $0x3  }
0x98: {  	_ =	strace s18  }
0x99: {  	s4 =	sld [smem:$0x3FFC];
	_ =	sdelay $0x3  }
0x9a: {  	_ =	strace s4  }
0x9b: {  	s4 =	sld [smem:$0x3FFD];
	_ =	sdelay $0x3  }
0x9c: {  	_ =	strace s4  }
0x9d: {  	_ =	strace $0x8FFFFFFF  }
0x9e: {  	s19 =	sld [smem:$0x3FDB];
	_ =	sdelay $0x1  }
0x9f: {  	s20 =	simm.s32 $_scs_section_size  }
0xa0: {  	s6 =	simm.s32 $_size__tile_overlayer_lowered;
	s7 =	simm.s32 $_tile_overlayer_lowered  }
0xa1: {  	s23 =	simm.s32 $0x1BFF;
	s22 =	sshll.u32 s7, $0x1;
	s4 =	sadd.s32 s20, s19  }
0xa2: {  	s8 =	simm.s32 $0x0;
	s21 =	sshll.u32 s6, $0x1;
	s6 =	sadd.s32 s22, s4  }
0xa3: {  	[timem:s8], [sflag:s23] =	dma.local [hbm:s6], s21  }
0xa4: {  	_ =	swait.ge [sflag:s23], s21  }
0xa5: {  	s5 =	ssub.s32 $0x0, s21;
	[sflag:s23] =	ssyncset.done $0x0  }
0xa6: {  	[sflag:s23] =	ssyncadd.s32 s5;
	_ =	sdelay $0x1  }
0xa7: {  	s24 =	simm.s32 $0x1B8B  }
0xa8: {  	_ =	swait.ge [sflag:s24], $0x1  }
0xa9: {  	[sflag:s24] =	ssyncset.done $0x0  }
0xaa: {  	s25 =	simm.s32 $0x1B8E;
	[sflag:s24] =	ssyncadd.s32 $0xFFFFFFFF  }
0xab: {  	s26 =	simm.s32 $execute0_lowered;
	[smem:$0x3FD2] =	sst s25  }
0xac: {  	s5 =	sshll.u32 s26, $0x1;
	_ =	strace $0x80000046;
	[dreg:$0x1] =	wrdreg $0xFFFFFFFF  }
0xad: {  	s28 =	simm.s32 $_size_execute0_lowered;
	s4 =	sadd.s32 s4, s5;
	[dreg:$0x0] =	wrdreg $0x0  }
0xae: {  	s5 =	sshll.u32 s28, $0x1;
	[dreg:$0x2] =	wrdreg s4  }
0xaf: {  	[dreg:$0x3] =	wrdreg s5  }
0xb0: {  	[dreg:$0x4] =	wrdreg $0xC0  }
0xb1: {  	_ =	task [dreg:s8], $0x5FFFF  }
0xb2: {  	[dreg:$0x1] =	wrdreg $0xFFFFFFFF  }
0xb3: {  	[dreg:$0x0] =	wrdreg $0x60  }
0xb4: {  	[dreg:$0x2] =	wrdreg s16  }
0xb5: {  	[dreg:$0x3] =	wrdreg s17  }
0xb6: {  	[dreg:$0x4] =	wrdreg $0x9  }
0xb7: {  	_ =	task.clear_ibuf [dreg:s8], $0x5FFFF;
	_ =	strace $0x90000046  }
0xb8: {  	s29 =	simm.s32 $0x9;
	_ =	strace $0x80000048  }
0xb9: {  	_ =	swait.ge [sflag:s29], $0x1  }
0xba: {  	[sflag:s29] =	ssyncadd.s32 $0xFFFFFFFF  }
0xbb: {  	_ =	strace $0x90000048  }
0xbc: {  	_ =	sfence  }
0xbd: {  	s30 =	sld [smem:$0x0];
	_ =	sdelay $0x2  }
0xbe: {  	s31 =	sshll.u32 s1, $0xD;
	s1 =	sshrl.u32 s1, $0x2  }
0xbf: {  	s3 =	sand.u32 $0x4000, s31;
	s1 =	sadd.s32 s1, s30  }
0xc0: {  	s0 =	sor.u32 s3, s0;
	s1 =	sshll.u32 s1, $0x11  }
0xc1: {  	s0 =	sor.u32 s1, s0  }
0xc2: {  	s0 =	sadd.s32 $0x8F2B, s0  }
0xc3: {  	[sflag:s0] =	ssyncadd.remote.s32 $0x1  }
0xc4: {  	_ =	sfence.sel $0xFFFF  }
0xc5: {  	[dreg:$0x0] =	wrdreg $0xFFFFFFFF;
	(pc) =	sbr.abs _section_cstart, $3  }
0xc6: {  	[dreg:$0x1] =	wrdreg $0xFFFFFFFF  }
0xc7: {  	_ =	task.clear_ibuf [dreg:s8], $0x2FFFF;
	_ =	strace $0x9FFFFFFF  }
0xc8: {  	(tm) =	ssettm $0x7FFFFFFF  }
0xc9: {  	_ =	shalt  }
tec
execute0_lowered:
.L_overlay_start_1:
0x0: {  	(tag) =	ssettag $0x1  }
0x1: {  	s0 =	stileid.u32  }
0x2: {  	s1 =	srdreg.scid;
	s2 =	sshll.u32 s0, $0x1  }
0x3: {  	s1 =	sand.u32 $0x1, s1;
	s2 =	sand.u32 $0x6, s2  }
0x4: {  	s5 =	sor.u32 s1, s2  }
0x5: {  	s3 =	rddreg [dreg:$0x0];
	s2 =	simm.s32 $0x0;
	s5 =	sshll.u32 s5, $0x10  }
0x6: {  	s6 =	sshll.u32 s0, $0x11;
	[smem:$0x7FF] =	sst s2;
	s0 =	sadd.s32 s3, s5  }
0x7: {  	s4 =	rddreg [dreg:$0x1];
	_ =	strace $0x80000047;
	s14 =	sadd.s32 $0x1000, s0  }
0x8: {  	[tilespmem:s2], [sflag:$0x1] =	stream.linear.gather [hbm4b:s0+s2], $0x8000, $0x38;
	[tilespmem:$0x10000] =	vst v63  }
0x9: {  	s6 =	sand.u32 $0x180000, s6;
	s15 =	sadd.s32 $0x2000, s0;
	[dreg:$0x3] =	wrdreg s14  }
0xa: {  	s5 =	sor.u32 s6, s5;
	s17 =	sadd.s32 $0x3000, s0;
	[dreg:$0x4] =	wrdreg s15  }
0xb: {  	s3 =	sadd.s32 s4, s5;
	s19 =	sadd.s32 $0x4000, s0;
	[dreg:$0x6] =	wrdreg s17  }
0xc: {  	s16 =	sadd.s32 $0x1000, s3;
	[dreg:$0x8] =	wrdreg s19  }
0xd: {  	s18 =	sadd.s32 $0x2000, s3;
	[dreg:$0x5] =	wrdreg s16  }
0xe: {  	s20 =	sadd.s32 $0x3000, s3;
	[dreg:$0x7] =	wrdreg s18  }
0xf: {  	s5 =	simm.s32 $0x1;
	[dreg:$0x9] =	wrdreg s20  }
0x10: {  	_ =	swait.ge [sflag:s5], $0x8000  }
0x11: {  	[sflag:s5] =	ssyncset.done $0x0  }
0x12: {  	s6 =	simm.s32 $0x8000;
	s7 =	rddreg [dreg:$0x3];
	[sflag:s5] =	ssyncadd.s32 $0xFFFF8000  }
0x13: {  	[tilespmem:s6], [sflag:$0x1] =	stream.linear.gather [hbm4b:s7+s2], $0x8000, $0x38;
	[tilespmem:$0x10000] =	vst v63  }
0x14: {  	_ = 	snop  }
0x15: {  	[hbm4b:s3+s2] =	stream.linear.scatter [tilespmem:s2], [sflag:$0x2], $0x8000, $0x38;
	[tilespmem:$0x10000] =	vst v63  }
0x16: {  	_ =	swait.ge [sflag:s5], $0x8000  }
0x17: {  	[sflag:s5] =	ssyncset.done $0x0  }
0x18: {  	s7 =	simm.s32 $0x2;
	[sflag:s5] =	ssyncadd.s32 $0xFFFF8000  }
0x19: {  	_ =	swait.ge [sflag:s7], $0x8000  }
0x1a: {  	[sflag:s7] =	ssyncset.done $0x0  }
0x1b: {  	s8 =	rddreg [dreg:$0x4];
	[sflag:s7] =	ssyncadd.s32 $0xFFFF8000  }
0x1c: {  	[tilespmem:s2], [sflag:$0x1] =	stream.linear.gather [hbm4b:s8+s2], $0x8000, $0x38;
	[tilespmem:$0x10000] =	vst v63  }
0x1d: {  	s9 =	rddreg [dreg:$0x5]  }
0x1e: {  	[hbm4b:s9+s2] =	stream.linear.scatter [tilespmem:s6], [sflag:$0x2], $0x8000, $0x38;
	[tilespmem:$0x10000] =	vst v63  }
0x1f: {  	_ =	swait.ge [sflag:s5], $0x8000  }
0x20: {  	[sflag:s5] =	ssyncset.done $0x0  }
0x21: {  	[sflag:s5] =	ssyncadd.s32 $0xFFFF8000  }
0x22: {  	_ =	swait.ge [sflag:s7], $0x8000  }
0x23: {  	[sflag:s7] =	ssyncset.done $0x0  }
0x24: {  	s21 =	rddreg [dreg:$0x6];
	[sflag:s7] =	ssyncadd.s32 $0xFFFF8000  }
0x25: {  	[tilespmem:s6], [sflag:$0x1] =	stream.linear.gather [hbm4b:s21+s2], $0x8000, $0x38;
	[tilespmem:$0x10000] =	vst v63  }
0x26: {  	s22 =	rddreg [dreg:$0x7]  }
0x27: {  	[hbm4b:s22+s2] =	stream.linear.scatter [tilespmem:s2], [sflag:$0x2], $0x8000, $0x38;
	[tilespmem:$0x10000] =	vst v63  }
0x28: {  	_ =	swait.ge [sflag:s5], $0x8000  }
0x29: {  	[sflag:s5] =	ssyncset.done $0x0  }
0x2a: {  	[sflag:s5] =	ssyncadd.s32 $0xFFFF8000  }
0x2b: {  	_ =	swait.ge [sflag:s7], $0x8000  }
0x2c: {  	[sflag:s7] =	ssyncset.done $0x0  }
0x2d: {  	s23 =	rddreg [dreg:$0x8];
	[sflag:s7] =	ssyncadd.s32 $0xFFFF8000  }
0x2e: {  	[tilespmem:s2], [sflag:$0x1] =	stream.linear.gather [hbm4b:s23+s2], $0x8000, $0x38;
	[tilespmem:$0x10000] =	vst v63  }
0x2f: {  	s24 =	rddreg [dreg:$0x9]  }
0x30: {  	[hbm4b:s24+s2] =	stream.linear.scatter [tilespmem:s6], [sflag:$0x2], $0x8000, $0x38;
	[tilespmem:$0x10000] =	vst v63  }
0x31: {  	_ =	swait.ge [sflag:s5], $0x8000  }
0x32: {  	[sflag:s5] =	ssyncset.done $0x0  }
0x33: {  	[sflag:s5] =	ssyncadd.s32 $0xFFFF8000  }
0x34: {  	_ =	swait.ge [sflag:s7], $0x8000  }
0x35: {  	[sflag:s7] =	ssyncset.done $0x0  }
0x36: {  	s25 =	sadd.s32 $0x5000, s0;
	[sflag:s7] =	ssyncadd.s32 $0xFFFF8000  }
0x37: {  	[tilespmem:s6], [sflag:$0x1] =	stream.linear.gather [hbm4b:s25+s2], $0x8000, $0x38;
	[tilespmem:$0x10000] =	vst v63  }
0x38: {  	s26 =	sadd.s32 $0x4000, s3;
	[dreg:$0xa] =	wrdreg s25  }
0x39: {  	[hbm4b:s26+s2] =	stream.linear.scatter [tilespmem:s2], [sflag:$0x2], $0x8000, $0x38;
	[tilespmem:$0x10000] =	vst v63  }
0x3a: {  	_ =	swait.ge [sflag:s5], $0x8000  }
0x3b: {  	[sflag:s5] =	ssyncset.done $0x0  }
0x3c: {  	[sflag:s5] =	ssyncadd.s32 $0xFFFF8000  }
0x3d: {  	_ =	swait.ge [sflag:s7], $0x8000  }
0x3e: {  	[sflag:s7] =	ssyncset.done $0x0  }
0x3f: {  	s10 =	sadd.s32 $0x6000, s0;
	[sflag:s7] =	ssyncadd.s32 $0xFFFF8000  }
0x40: {  	[tilespmem:s2], [sflag:$0x1] =	stream.linear.gather [hbm4b:s10+s2], $0x8000, $0x38;
	[tilespmem:$0x10000] =	vst v63  }
0x41: {  	s11 =	sadd.s32 $0x5000, s3  }
0x42: {  	[hbm4b:s11+s2] =	stream.linear.scatter [tilespmem:s6], [sflag:$0x2], $0x8000, $0x38;
	[tilespmem:$0x10000] =	vst v63  }
0x43: {  	_ =	swait.ge [sflag:s5], $0x8000  }
0x44: {  	[sflag:s5] =	ssyncset.done $0x0  }
0x45: {  	[sflag:s5] =	ssyncadd.s32 $0xFFFF8000  }
0x46: {  	_ =	swait.ge [sflag:s7], $0x8000  }
0x47: {  	[sflag:s7] =	ssyncset.done $0x0  }
0x48: {  	s12 =	sadd.s32 $0x7000, s0;
	[sflag:s7] =	ssyncadd.s32 $0xFFFF8000  }
0x49: {  	[tilespmem:s6], [sflag:$0x1] =	stream.linear.gather [hbm4b:s12+s2], $0x8000, $0x38;
	[tilespmem:$0x10000] =	vst v63  }
0x4a: {  	s13 =	sadd.s32 $0x6000, s3  }
0x4b: {  	[hbm4b:s13+s2] =	stream.linear.scatter [tilespmem:s2], [sflag:$0x2], $0x8000, $0x38;
	[tilespmem:$0x10000] =	vst v63  }
0x4c: {  	_ =	swait.ge [sflag:s5], $0x8000  }
0x4d: {  	[sflag:s5] =	ssyncset.done $0x0  }
0x4e: {  	[sflag:s5] =	ssyncadd.s32 $0xFFFF8000  }
0x4f: {  	_ =	swait.ge [sflag:s7], $0x8000  }
0x50: {  	[sflag:s7] =	ssyncset.done $0x0  }
0x51: {  	s14 =	sadd.s32 $0x8000, s0;
	[sflag:s7] =	ssyncadd.s32 $0xFFFF8000  }
0x52: {  	[tilespmem:s2], [sflag:$0x1] =	stream.linear.gather [hbm4b:s14+s2], $0x8000, $0x38;
	[tilespmem:$0x10000] =	vst v63  }
0x53: {  	s15 =	sadd.s32 $0x7000, s3  }
0x54: {  	[hbm4b:s15+s2] =	stream.linear.scatter [tilespmem:s6], [sflag:$0x2], $0x8000, $0x38;
	[tilespmem:$0x10000] =	vst v63  }
0x55: {  	_ =	swait.ge [sflag:s5], $0x8000  }
0x56: {  	[sflag:s5] =	ssyncset.done $0x0  }
0x57: {  	[sflag:s5] =	ssyncadd.s32 $0xFFFF8000  }
0x58: {  	_ =	swait.ge [sflag:s7], $0x8000  }
0x59: {  	[sflag:s7] =	ssyncset.done $0x0  }
0x5a: {  	s16 =	sadd.s32 $0x9000, s0;
	[sflag:s7] =	ssyncadd.s32 $0xFFFF8000  }
0x5b: {  	[tilespmem:s6], [sflag:$0x1] =	stream.linear.gather [hbm4b:s16+s2], $0x8000, $0x38;
	[tilespmem:$0x10000] =	vst v63  }
0x5c: {  	s17 =	sadd.s32 $0x8000, s3  }
0x5d: {  	[hbm4b:s17+s2] =	stream.linear.scatter [tilespmem:s2], [sflag:$0x2], $0x8000, $0x38;
	[tilespmem:$0x10000] =	vst v63  }
0x5e: {  	_ =	swait.ge [sflag:s5], $0x8000  }
0x5f: {  	[sflag:s5] =	ssyncset.done $0x0  }
0x60: {  	[sflag:s5] =	ssyncadd.s32 $0xFFFF8000  }
0x61: {  	_ =	swait.ge [sflag:s7], $0x8000  }
0x62: {  	[sflag:s7] =	ssyncset.done $0x0  }
0x63: {  	s18 =	sadd.s32 $0xA000, s0;
	[sflag:s7] =	ssyncadd.s32 $0xFFFF8000  }
0x64: {  	[tilespmem:s2], [sflag:$0x1] =	stream.linear.gather [hbm4b:s18+s2], $0x8000, $0x38;
	[tilespmem:$0x10000] =	vst v63  }
0x65: {  	s19 =	sadd.s32 $0x9000, s3  }
0x66: {  	[hbm4b:s19+s2] =	stream.linear.scatter [tilespmem:s6], [sflag:$0x2], $0x8000, $0x38;
	[tilespmem:$0x10000] =	vst v63  }
0x67: {  	_ =	swait.ge [sflag:s5], $0x8000  }
0x68: {  	[sflag:s5] =	ssyncset.done $0x0  }
0x69: {  	[sflag:s5] =	ssyncadd.s32 $0xFFFF8000  }
0x6a: {  	_ =	swait.ge [sflag:s7], $0x8000  }
0x6b: {  	[sflag:s7] =	ssyncset.done $0x0  }
0x6c: {  	s20 =	sadd.s32 $0xB000, s0;
	[sflag:s7] =	ssyncadd.s32 $0xFFFF8000  }
0x6d: {  	[tilespmem:s6], [sflag:$0x1] =	stream.linear.gather [hbm4b:s20+s2], $0x8000, $0x38;
	[tilespmem:$0x10000] =	vst v63  }
0x6e: {  	s21 =	sadd.s32 $0xA000, s3  }
0x6f: {  	[hbm4b:s21+s2] =	stream.linear.scatter [tilespmem:s2], [sflag:$0x2], $0x8000, $0x38;
	[tilespmem:$0x10000] =	vst v63  }
0x70: {  	_ =	swait.ge [sflag:s5], $0x8000  }
0x71: {  	[sflag:s5] =	ssyncset.done $0x0  }
0x72: {  	[sflag:s5] =	ssyncadd.s32 $0xFFFF8000  }
0x73: {  	_ =	swait.ge [sflag:s7], $0x8000  }
0x74: {  	[sflag:s7] =	ssyncset.done $0x0  }
0x75: {  	s22 =	sadd.s32 $0xC000, s0;
	[sflag:s7] =	ssyncadd.s32 $0xFFFF8000  }
0x76: {  	[tilespmem:s2], [sflag:$0x1] =	stream.linear.gather [hbm4b:s22+s2], $0x8000, $0x38;
	[tilespmem:$0x10000] =	vst v63  }
0x77: {  	s23 =	sadd.s32 $0xB000, s3  }
0x78: {  	[hbm4b:s23+s2] =	stream.linear.scatter [tilespmem:s6], [sflag:$0x2], $0x8000, $0x38;
	[tilespmem:$0x10000] =	vst v63  }
0x79: {  	_ =	swait.ge [sflag:s5], $0x8000  }
0x7a: {  	[sflag:s5] =	ssyncset.done $0x0  }
0x7b: {  	[sflag:s5] =	ssyncadd.s32 $0xFFFF8000  }
0x7c: {  	_ =	swait.ge [sflag:s7], $0x8000  }
0x7d: {  	[sflag:s7] =	ssyncset.done $0x0  }
0x7e: {  	s24 =	sadd.s32 $0xD000, s0;
	[sflag:s7] =	ssyncadd.s32 $0xFFFF8000  }
0x7f: {  	[tilespmem:s6], [sflag:$0x1] =	stream.linear.gather [hbm4b:s24+s2], $0x8000, $0x38;
	[tilespmem:$0x10000] =	vst v63  }
0x80: {  	s25 =	sadd.s32 $0xC000, s3  }
0x81: {  	[hbm4b:s25+s2] =	stream.linear.scatter [tilespmem:s2], [sflag:$0x2], $0x8000, $0x38;
	[tilespmem:$0x10000] =	vst v63  }
0x82: {  	_ =	swait.ge [sflag:s5], $0x8000  }
0x83: {  	[sflag:s5] =	ssyncset.done $0x0  }
0x84: {  	[sflag:s5] =	ssyncadd.s32 $0xFFFF8000  }
0x85: {  	_ =	swait.ge [sflag:s7], $0x8000  }
0x86: {  	[sflag:s7] =	ssyncset.done $0x0  }
0x87: {  	s9 =	smov.u32 s26;
	s26 =	sadd.s32 $0xE000, s0;
	[sflag:s7] =	ssyncadd.s32 $0xFFFF8000  }
0x88: {  	[tilespmem:s2], [sflag:$0x1] =	stream.linear.gather [hbm4b:s26+s2], $0x8000, $0x38;
	[tilespmem:$0x10000] =	vst v63  }
0x89: {  	s28 =	sadd.s32 $0xD000, s3  }
0x8a: {  	[hbm4b:s28+s2] =	stream.linear.scatter [tilespmem:s6], [sflag:$0x2], $0x8000, $0x38;
	[tilespmem:$0x10000] =	vst v63  }
0x8b: {  	_ =	swait.ge [sflag:s5], $0x8000  }
0x8c: {  	[sflag:s5] =	ssyncset.done $0x0  }
0x8d: {  	[sflag:s5] =	ssyncadd.s32 $0xFFFF8000  }
0x8e: {  	_ =	swait.ge [sflag:s7], $0x8000  }
0x8f: {  	[sflag:s7] =	ssyncset.done $0x0  }
0x90: {  	s1 =	ssub.s32 $0x2, s1;
	s29 =	sadd.s32 $0xF000, s0;
	[sflag:s7] =	ssyncadd.s32 $0xFFFF8000  }
0x91: {  	[tilespmem:s6], [sflag:$0x1] =	stream.linear.gather [hbm4b:s29+s2], $0x8000, $0x38;
	[tilespmem:$0x10000] =	vst v63  }
0x92: {  	s30 =	sadd.s32 $0xE000, s3;
	s8 =	sshrl.u32 s1, $0x1  }
0x93: {  	[hbm4b:s30+s2] =	stream.linear.scatter [tilespmem:s2], [sflag:$0x2], $0x8000, $0x38;
	[tilespmem:$0x10000] =	vst v63  }
0x94: {  	s4 =	smov.u32 s0;
	s0 =	ssub.s32 s1, s8;
	_ =	swait.ge [sflag:s5], $0x8000  }
0x95: {  	s0 =	smax.u32 s0, $0x1;
	[sflag:s5] =	ssyncset.done $0x0  }
0x96: {  	s31 =	sadd.s32 $0xF000, s3;
	p0 =	sne.s32 s0, $0x1;
	[sflag:s5] =	ssyncadd.s32 $0xFFFF8000  }
0x97: {  	[hbm4b:s31+s2] =	stream.linear.scatter [tilespmem:s6], [sflag:$0x2], $0x8000, $0x38;
	[tilespmem:$0x10000] =	vst v63  }
.Ltmp0:
0x98: {  	_ =	swait.ge [sflag:s7], $0x8000;
	(pc) =	sbr.rel @!p0 .LBB2_3-.Ltmp0, $4  }
0x99: {  	[sflag:s7] =	ssyncset.done $0x0  }
0x9a: {  	[sflag:s7] =	ssyncadd.s32 $0xFFFF8000  }
0x9b: {  	_ =	swait.ge [sflag:s7], $0x8000  }
0x9c: {  	s1 =	sadd.s32 $0xFFFFFFFF, s0;
	[sflag:s7] =	ssyncset.done $0x0  }
0x9d: {  	s8 =	smov.u32 s3  }
.LBB2_2:
0x9e: {  	[sflag:s7] =	ssyncadd.s32 $0xFFFF8000  }
0x9f: {  	[tilespmem:s2], [sflag:$0x1] =	stream.linear.gather [hbm4b:s4+s2], $0x8000, $0x38;
	[tilespmem:$0x10000] =	vst v63  }
0xa0: {  	_ =	swait.ge [sflag:s5], $0x8000  }
0xa1: {  	[sflag:s5] =	ssyncset.done $0x0  }
0xa2: {  	s0 =	rddreg [dreg:$0x3];
	[sflag:s5] =	ssyncadd.s32 $0xFFFF8000  }
0xa3: {  	[tilespmem:s6], [sflag:$0x1] =	stream.linear.gather [hbm4b:s0+s2], $0x8000, $0x38;
	[tilespmem:$0x10000] =	vst v63  }
0xa4: {  	_ = 	snop  }
0xa5: {  	[hbm4b:s8+s2] =	stream.linear.scatter [tilespmem:s2], [sflag:$0x2], $0x8000, $0x38;
	[tilespmem:$0x10000] =	vst v63  }
0xa6: {  	_ =	swait.ge [sflag:s5], $0x8000  }
0xa7: {  	[sflag:s5] =	ssyncset.done $0x0  }
0xa8: {  	[sflag:s5] =	ssyncadd.s32 $0xFFFF8000  }
0xa9: {  	_ =	swait.ge [sflag:s7], $0x8000  }
0xaa: {  	[sflag:s7] =	ssyncset.done $0x0  }
0xab: {  	s0 =	rddreg [dreg:$0x4];
	[sflag:s7] =	ssyncadd.s32 $0xFFFF8000  }
0xac: {  	[tilespmem:s2], [sflag:$0x1] =	stream.linear.gather [hbm4b:s0+s2], $0x8000, $0x38;
	[tilespmem:$0x10000] =	vst v63  }
0xad: {  	s3 =	rddreg [dreg:$0x5]  }
0xae: {  	[hbm4b:s3+s2] =	stream.linear.scatter [tilespmem:s6], [sflag:$0x2], $0x8000, $0x38;
	[tilespmem:$0x10000] =	vst v63  }
0xaf: {  	_ =	swait.ge [sflag:s5], $0x8000  }
0xb0: {  	[sflag:s5] =	ssyncset.done $0x0  }
0xb1: {  	[sflag:s5] =	ssyncadd.s32 $0xFFFF8000  }
0xb2: {  	_ =	swait.ge [sflag:s7], $0x8000  }
0xb3: {  	[sflag:s7] =	ssyncset.done $0x0  }
0xb4: {  	s0 =	rddreg [dreg:$0x6];
	[sflag:s7] =	ssyncadd.s32 $0xFFFF8000  }
0xb5: {  	[tilespmem:s6], [sflag:$0x1] =	stream.linear.gather [hbm4b:s0+s2], $0x8000, $0x38;
	[tilespmem:$0x10000] =	vst v63  }
0xb6: {  	s3 =	rddreg [dreg:$0x7]  }
0xb7: {  	[hbm4b:s3+s2] =	stream.linear.scatter [tilespmem:s2], [sflag:$0x2], $0x8000, $0x38;
	[tilespmem:$0x10000] =	vst v63  }
0xb8: {  	_ =	swait.ge [sflag:s5], $0x8000  }
0xb9: {  	[sflag:s5] =	ssyncset.done $0x0  }
0xba: {  	[sflag:s5] =	ssyncadd.s32 $0xFFFF8000  }
0xbb: {  	_ =	swait.ge [sflag:s7], $0x8000  }
0xbc: {  	[sflag:s7] =	ssyncset.done $0x0  }
0xbd: {  	s0 =	rddreg [dreg:$0x8];
	[sflag:s7] =	ssyncadd.s32 $0xFFFF8000  }
0xbe: {  	[tilespmem:s2], [sflag:$0x1] =	stream.linear.gather [hbm4b:s0+s2], $0x8000, $0x38;
	[tilespmem:$0x10000] =	vst v63  }
0xbf: {  	s3 =	rddreg [dreg:$0x9]  }
0xc0: {  	[hbm4b:s3+s2] =	stream.linear.scatter [tilespmem:s6], [sflag:$0x2], $0x8000, $0x38;
	[tilespmem:$0x10000] =	vst v63  }
0xc1: {  	_ =	swait.ge [sflag:s5], $0x8000  }
0xc2: {  	[sflag:s5] =	ssyncset.done $0x0  }
0xc3: {  	[sflag:s5] =	ssyncadd.s32 $0xFFFF8000  }
0xc4: {  	_ =	swait.ge [sflag:s7], $0x8000  }
0xc5: {  	[sflag:s7] =	ssyncset.done $0x0  }
0xc6: {  	s3 =	rddreg [dreg:$0xa];
	[sflag:s7] =	ssyncadd.s32 $0xFFFF8000  }
0xc7: {  	[tilespmem:s6], [sflag:$0x1] =	stream.linear.gather [hbm4b:s3+s2], $0x8000, $0x38;
	[tilespmem:$0x10000] =	vst v63  }
0xc8: {  	_ = 	snop  }
0xc9: {  	[hbm4b:s9+s2] =	stream.linear.scatter [tilespmem:s2], [sflag:$0x2], $0x8000, $0x38;
	[tilespmem:$0x10000] =	vst v63  }
0xca: {  	_ =	swait.ge [sflag:s5], $0x8000  }
0xcb: {  	[sflag:s5] =	ssyncset.done $0x0  }
0xcc: {  	[sflag:s5] =	ssyncadd.s32 $0xFFFF8000  }
0xcd: {  	_ =	swait.ge [sflag:s7], $0x8000  }
0xce: {  	[sflag:s7] =	ssyncset.done $0x0  }
0xcf: {  	[sflag:s7] =	ssyncadd.s32 $0xFFFF8000  }
0xd0: {  	[tilespmem:s2], [sflag:$0x1] =	stream.linear.gather [hbm4b:s10+s2], $0x8000, $0x38;
	[tilespmem:$0x10000] =	vst v63  }
0xd1: {  	_ = 	snop  }
0xd2: {  	[hbm4b:s11+s2] =	stream.linear.scatter [tilespmem:s6], [sflag:$0x2], $0x8000, $0x38;
	[tilespmem:$0x10000] =	vst v63  }
0xd3: {  	_ =	swait.ge [sflag:s5], $0x8000  }
0xd4: {  	[sflag:s5] =	ssyncset.done $0x0  }
0xd5: {  	[sflag:s5] =	ssyncadd.s32 $0xFFFF8000  }
0xd6: {  	_ =	swait.ge [sflag:s7], $0x8000  }
0xd7: {  	[sflag:s7] =	ssyncset.done $0x0  }
0xd8: {  	[sflag:s7] =	ssyncadd.s32 $0xFFFF8000  }
0xd9: {  	[tilespmem:s6], [sflag:$0x1] =	stream.linear.gather [hbm4b:s12+s2], $0x8000, $0x38;
	[tilespmem:$0x10000] =	vst v63  }
0xda: {  	_ = 	snop  }
0xdb: {  	[hbm4b:s13+s2] =	stream.linear.scatter [tilespmem:s2], [sflag:$0x2], $0x8000, $0x38;
	[tilespmem:$0x10000] =	vst v63  }
0xdc: {  	_ =	swait.ge [sflag:s5], $0x8000  }
0xdd: {  	[sflag:s5] =	ssyncset.done $0x0  }
0xde: {  	[sflag:s5] =	ssyncadd.s32 $0xFFFF8000  }
0xdf: {  	_ =	swait.ge [sflag:s7], $0x8000  }
0xe0: {  	[sflag:s7] =	ssyncset.done $0x0  }
0xe1: {  	[sflag:s7] =	ssyncadd.s32 $0xFFFF8000  }
0xe2: {  	[tilespmem:s2], [sflag:$0x1] =	stream.linear.gather [hbm4b:s14+s2], $0x8000, $0x38;
	[tilespmem:$0x10000] =	vst v63  }
0xe3: {  	_ = 	snop  }
0xe4: {  	[hbm4b:s15+s2] =	stream.linear.scatter [tilespmem:s6], [sflag:$0x2], $0x8000, $0x38;
	[tilespmem:$0x10000] =	vst v63  }
0xe5: {  	_ =	swait.ge [sflag:s5], $0x8000  }
0xe6: {  	[sflag:s5] =	ssyncset.done $0x0  }
0xe7: {  	[sflag:s5] =	ssyncadd.s32 $0xFFFF8000  }
0xe8: {  	_ =	swait.ge [sflag:s7], $0x8000  }
0xe9: {  	[sflag:s7] =	ssyncset.done $0x0  }
0xea: {  	[sflag:s7] =	ssyncadd.s32 $0xFFFF8000  }
0xeb: {  	[tilespmem:s6], [sflag:$0x1] =	stream.linear.gather [hbm4b:s16+s2], $0x8000, $0x38;
	[tilespmem:$0x10000] =	vst v63  }
0xec: {  	_ = 	snop  }
0xed: {  	[hbm4b:s17+s2] =	stream.linear.scatter [tilespmem:s2], [sflag:$0x2], $0x8000, $0x38;
	[tilespmem:$0x10000] =	vst v63  }
0xee: {  	_ =	swait.ge [sflag:s5], $0x8000  }
0xef: {  	[sflag:s5] =	ssyncset.done $0x0  }
0xf0: {  	[sflag:s5] =	ssyncadd.s32 $0xFFFF8000  }
0xf1: {  	_ =	swait.ge [sflag:s7], $0x8000  }
0xf2: {  	[sflag:s7] =	ssyncset.done $0x0  }
0xf3: {  	[sflag:s7] =	ssyncadd.s32 $0xFFFF8000  }
0xf4: {  	[tilespmem:s2], [sflag:$0x1] =	stream.linear.gather [hbm4b:s18+s2], $0x8000, $0x38;
	[tilespmem:$0x10000] =	vst v63  }
0xf5: {  	_ = 	snop  }
0xf6: {  	[hbm4b:s19+s2] =	stream.linear.scatter [tilespmem:s6], [sflag:$0x2], $0x8000, $0x38;
	[tilespmem:$0x10000] =	vst v63  }
0xf7: {  	_ =	swait.ge [sflag:s5], $0x8000  }
0xf8: {  	[sflag:s5] =	ssyncset.done $0x0  }
0xf9: {  	[sflag:s5] =	ssyncadd.s32 $0xFFFF8000  }
0xfa: {  	_ =	swait.ge [sflag:s7], $0x8000  }
0xfb: {  	[sflag:s7] =	ssyncset.done $0x0  }
0xfc: {  	[sflag:s7] =	ssyncadd.s32 $0xFFFF8000  }
0xfd: {  	[tilespmem:s6], [sflag:$0x1] =	stream.linear.gather [hbm4b:s20+s2], $0x8000, $0x38;
	[tilespmem:$0x10000] =	vst v63  }
0xfe: {  	_ = 	snop  }
0xff: {  	[hbm4b:s21+s2] =	stream.linear.scatter [tilespmem:s2], [sflag:$0x2], $0x8000, $0x38;
	[tilespmem:$0x10000] =	vst v63  }
0x100: {  	_ =	swait.ge [sflag:s5], $0x8000  }
0x101: {  	[sflag:s5] =	ssyncset.done $0x0  }
0x102: {  	[sflag:s5] =	ssyncadd.s32 $0xFFFF8000  }
0x103: {  	_ =	swait.ge [sflag:s7], $0x8000  }
0x104: {  	[sflag:s7] =	ssyncset.done $0x0  }
0x105: {  	[sflag:s7] =	ssyncadd.s32 $0xFFFF8000  }
0x106: {  	[tilespmem:s2], [sflag:$0x1] =	stream.linear.gather [hbm4b:s22+s2], $0x8000, $0x38;
	[tilespmem:$0x10000] =	vst v63  }
0x107: {  	_ = 	snop  }
0x108: {  	[hbm4b:s23+s2] =	stream.linear.scatter [tilespmem:s6], [sflag:$0x2], $0x8000, $0x38;
	[tilespmem:$0x10000] =	vst v63  }
0x109: {  	_ =	swait.ge [sflag:s5], $0x8000  }
0x10a: {  	[sflag:s5] =	ssyncset.done $0x0  }
0x10b: {  	[sflag:s5] =	ssyncadd.s32 $0xFFFF8000  }
0x10c: {  	_ =	swait.ge [sflag:s7], $0x8000  }
0x10d: {  	[sflag:s7] =	ssyncset.done $0x0  }
0x10e: {  	[sflag:s7] =	ssyncadd.s32 $0xFFFF8000  }
0x10f: {  	[tilespmem:s6], [sflag:$0x1] =	stream.linear.gather [hbm4b:s24+s2], $0x8000, $0x38;
	[tilespmem:$0x10000] =	vst v63  }
0x110: {  	_ = 	snop  }
0x111: {  	[hbm4b:s25+s2] =	stream.linear.scatter [tilespmem:s2], [sflag:$0x2], $0x8000, $0x38;
	[tilespmem:$0x10000] =	vst v63  }
0x112: {  	_ =	swait.ge [sflag:s5], $0x8000  }
0x113: {  	[sflag:s5] =	ssyncset.done $0x0  }
0x114: {  	[sflag:s5] =	ssyncadd.s32 $0xFFFF8000  }
0x115: {  	_ =	swait.ge [sflag:s7], $0x8000  }
0x116: {  	[sflag:s7] =	ssyncset.done $0x0  }
0x117: {  	[sflag:s7] =	ssyncadd.s32 $0xFFFF8000  }
0x118: {  	[tilespmem:s2], [sflag:$0x1] =	stream.linear.gather [hbm4b:s26+s2], $0x8000, $0x38;
	[tilespmem:$0x10000] =	vst v63  }
0x119: {  	_ = 	snop  }
0x11a: {  	[hbm4b:s28+s2] =	stream.linear.scatter [tilespmem:s6], [sflag:$0x2], $0x8000, $0x38;
	[tilespmem:$0x10000] =	vst v63  }
0x11b: {  	_ =	swait.ge [sflag:s5], $0x8000  }
0x11c: {  	[sflag:s5] =	ssyncset.done $0x0  }
0x11d: {  	[sflag:s5] =	ssyncadd.s32 $0xFFFF8000  }
0x11e: {  	_ =	swait.ge [sflag:s7], $0x8000  }
0x11f: {  	[sflag:s7] =	ssyncset.done $0x0  }
0x120: {  	[sflag:s7] =	ssyncadd.s32 $0xFFFF8000  }
0x121: {  	[tilespmem:s6], [sflag:$0x1] =	stream.linear.gather [hbm4b:s29+s2], $0x8000, $0x38;
	[tilespmem:$0x10000] =	vst v63  }
0x122: {  	_ = 	snop  }
0x123: {  	[hbm4b:s30+s2] =	stream.linear.scatter [tilespmem:s2], [sflag:$0x2], $0x8000, $0x38;
	[tilespmem:$0x10000] =	vst v63  }
0x124: {  	_ =	swait.ge [sflag:s5], $0x8000  }
0x125: {  	[sflag:s5] =	ssyncset.done $0x0  }
0x126: {  	p0 =	sne.s32 s1, $0x1;
	[sflag:s5] =	ssyncadd.s32 $0xFFFF8000  }
0x127: {  	[hbm4b:s31+s2] =	stream.linear.scatter [tilespmem:s6], [sflag:$0x2], $0x8000, $0x38;
	[tilespmem:$0x10000] =	vst v63  }
.Ltmp1:
0x128: {  	_ =	swait.ge [sflag:s7], $0x8000;
	(pc) =	sbr.rel @p0 .LBB2_2-.Ltmp1, $4  }
0x129: {  	[sflag:s7] =	ssyncset.done $0x0  }
0x12a: {  	[sflag:s7] =	ssyncadd.s32 $0xFFFF8000  }
0x12b: {  	_ =	swait.ge [sflag:s7], $0x8000  }
0x12c: {  	s1 =	sadd.s32 $0xFFFFFFFF, s1;
	[sflag:s7] =	ssyncset.done $0x0  }
.LBB2_3:
0x12d: {  	[sflag:s7] =	ssyncadd.s32 $0xFFFF8000  }
0x12e: {  	_ =	sfence.sel $0x180000  }
0x12f: {  	[bflag:$0x0] =	sbarrier.arrive $0xFFFF  }
0x130: {  	_ =	strace $0x90000047  }
0x131: {  	s0 =	stileid.u32;
	[bflag:$0x2] =	sbarrier.arrive $0xFFFF  }
0x132: {  	p0 =	sne.s32 s0, $0x0;
	s0 =	rddreg [dreg:$0x2]  }
0x133: {  	s0 =	sadd.s32 @!p0 $0x100000, s0  }
0x134: {  	[sflag:s0] =	ssyncadd.tile.s32 @!p0 $0x1;
	_ =	shalt  }
.Lfunc_end2:
_tile_overlayer_lowered:
.L_overlay_start_2:
0x135: {  	(tag) =	ssettag $0x2  }
0x136: {  	s0 =	rddreg [dreg:$0x0];
	s2 =	stileid.u32  }
0x137: {  	s1 =	rddreg [dreg:$0x1];
	p0 =	sne.s32 s2, $0x0  }
0x138: {  	s3 =	rddreg [dreg:$0x2];
	[bflag:$0x3] =	sbarrier.arrive $0xFFFF;
	s2 =	simm.s32 @!p0 $0x1C03  }
0x139: {  	[timem:s3], [sflag:s2] =	dma.local @!p0 [hbm:s0], s1  }
0x13a: {  	s0 =	simm.s32 @!p0 $0x3  }
0x13b: {  	_ =	swait.ge @!p0 [sflag:s0], s1  }
0x13c: {  	s1 =	ssub.s32 @!p0 $0x0, s1;
	[sflag:s0] =	ssyncset.done @!p0 $0x0  }
0x13d: {  	[sflag:s0] =	ssyncadd.s32 @!p0 s1  }
0x13e: {  	[bflag:$0x3] =	sbarrier.arrive $0xFFFF  }
0x13f: {  	_ =	shalt  }

</sc_bundles>
